<compile_context>
chip_gen: v7x
topology: tpu7x:2x2x1
jax: 0.10.2.dev20260603
libtpu: 0.0.44.dev20260713+nightly
codegen_flags: <defaults>
</compile_context>

<pallas_src>
import functools

import jax
import jax.numpy as jnp
from jax import lax
from jax.experimental import pallas as pl
from jax.experimental.pallas import tpu as pltpu
from jax.experimental.pallas import tpu_sc as plsc

N = 10000
E = 320000
G = 64
F = 64
NODE_IN = 128
EDGE_IN = 16
LAYERS = 3
_C = float((1.0 + 1e-5) ** -0.5)

_NC = 2
_NS = 16
_NW = _NC * _NS
_CH = 80
_EPT = E // _NW
_NCHUNK = _EPT // _CH
_RB = 80
_NRB = N // _RB



def _embed_call(x, Wn, bn, A, cb):
    B = 2000

    def body(x_ref, wn_ref, bn_ref, a_ref, c_ref, h_ref, p_ref):
        h = jnp.dot(x_ref[...], wn_ref[...],
                    preferred_element_type=jnp.float32) + bn_ref[...]
        h_ref[...] = h
        p = jnp.dot(h, a_ref[...],
                    preferred_element_type=jnp.float32) + c_ref[...]
        p_ref[...] = jnp.concatenate([p, jnp.zeros_like(p)], axis=-1)

    return pl.pallas_call(
        body,
        grid=(N // B,),
        in_specs=[
            pl.BlockSpec((B, NODE_IN), lambda i: (i, 0)),
            pl.BlockSpec((NODE_IN, F), lambda i: (0, 0)),
            pl.BlockSpec((1, F), lambda i: (0, 0)),
            pl.BlockSpec((F, F), lambda i: (0, 0)),
            pl.BlockSpec((1, F), lambda i: (0, 0)),
        ],
        out_specs=[
            pl.BlockSpec((B, F), lambda i: (i, 0)),
            pl.BlockSpec((B, 2 * F), lambda i: (i, 0)),
        ],
        out_shape=[jax.ShapeDtypeStruct((N, F), jnp.float32),
                   jax.ShapeDtypeStruct((N, 2 * F), jnp.float32)],
    )(x, Wn, bn, A, cb)


def _q_call(edge_attr, Wc_all):
    B = 8000

    def body(ea_ref, w_ref, q0_ref, q1_ref, q2_ref):
        q = jnp.dot(ea_ref[...], w_ref[...], preferred_element_type=jnp.float32)
        q0_ref[...] = q[:, :F]
        q1_ref[...] = q[:, F:2 * F]
        q2_ref[...] = q[:, 2 * F:]

    return pl.pallas_call(
        body,
        grid=(E // B,),
        in_specs=[
            pl.BlockSpec((B, EDGE_IN), lambda i: (i, 0)),
            pl.BlockSpec((EDGE_IN, LAYERS * F), lambda i: (0, 0)),
        ],
        out_specs=[pl.BlockSpec((B, F), lambda i: (i, 0))] * LAYERS,
        out_shape=[jax.ShapeDtypeStruct((E, F), jnp.float32)] * LAYERS,
    )(edge_attr, Wc_all)


def _update_call(h, parts, Wt, Wb, bu, A=None, cb=None):
    B = 2000
    with_p = A is not None

    def body(h_ref, p0_ref, p1_ref, wt_ref, wb_ref, bu_ref, *rest):
        if with_p:
            a_ref, c_ref, hn_ref, pn_ref = rest
        else:
            (hn_ref,) = rest
        u = (jnp.dot(h_ref[...], wt_ref[...],
                     preferred_element_type=jnp.float32)
             + jnp.dot(p0_ref[0] + p1_ref[0], wb_ref[...],
                       preferred_element_type=jnp.float32)
             + bu_ref[...])
        hn = _C * jnp.maximum(u, 0.0)
        hn_ref[...] = hn
        if with_p:
            pn = jnp.dot(hn, a_ref[...],
                         preferred_element_type=jnp.float32) + c_ref[...]
            pn_ref[...] = jnp.concatenate([pn, jnp.zeros_like(pn)], axis=-1)

    in_specs = [
        pl.BlockSpec((B, F), lambda i: (i, 0)),
        pl.BlockSpec((1, B, F), lambda i: (0, i, 0)),
        pl.BlockSpec((1, B, F), lambda i: (1, i, 0)),
        pl.BlockSpec((F, F), lambda i: (0, 0)),
        pl.BlockSpec((F, F), lambda i: (0, 0)),
        pl.BlockSpec((1, F), lambda i: (0, 0)),
    ]
    args = [h, parts, parts, Wt, Wb, bu]
    n_out = 1
    out_specs = [pl.BlockSpec((B, F), lambda i: (i, 0))]
    out_shape = [jax.ShapeDtypeStruct((N, F), jnp.float32)]
    if with_p:
        in_specs += [pl.BlockSpec((F, F), lambda i: (0, 0)),
                     pl.BlockSpec((1, F), lambda i: (0, 0))]
        args += [A, cb]
        out_specs.append(pl.BlockSpec((B, 2 * F), lambda i: (i, 0)))
        out_shape.append(jax.ShapeDtypeStruct((N, 2 * F), jnp.float32))
    return pl.pallas_call(
        body,
        grid=(N // B,),
        in_specs=in_specs,
        out_specs=out_specs,
        out_shape=out_shape,
    )(*args)


def _pool_readout_call(h, batch3, W1, b1, W2, b2):
    B = 2000
    S = N // B

    def body(b_ref, h_ref, w1_ref, b1_ref, w2_ref, b2_ref, o_ref, acc):
        i = pl.program_id(0)

        @pl.when(i == 0)
        def _():
            acc[...] = jnp.zeros_like(acc)

        ids = b_ref[0, 0, :]
        onehot = (ids[:, None] == lax.broadcasted_iota(jnp.int32, (B, G), 1)
                  ).astype(jnp.float32)
        acc[...] += lax.dot_general(onehot, h_ref[...],
                                    (((0,), (0,)), ((), ())),
                                    preferred_element_type=jnp.float32)

        @pl.when(i == S - 1)
        def _():
            g = acc[...]
            r = jnp.maximum(jnp.dot(g, w1_ref[...],
                                    preferred_element_type=jnp.float32)
                            + b1_ref[...], 0.0)
            o_ref[...] = jnp.dot(r, w2_ref[...],
                                 preferred_element_type=jnp.float32) + b2_ref[...]

    return pl.pallas_call(
        body,
        grid=(S,),
        in_specs=[
            pl.BlockSpec((1, 1, B), lambda i: (i, 0, 0)),
            pl.BlockSpec((B, F), lambda i: (i, 0)),
            pl.BlockSpec((F, F), lambda i: (0, 0)),
            pl.BlockSpec((1, F), lambda i: (0, 0)),
            pl.BlockSpec((F, 1), lambda i: (0, 0)),
            pl.BlockSpec((1, 1), lambda i: (0, 0)),
        ],
        out_specs=pl.BlockSpec((G, 1), lambda i: (0, 0)),
        out_shape=jax.ShapeDtypeStruct((G, 1), jnp.float32),
        scratch_shapes=[pltpu.VMEM((G, G), jnp.float32)],
    )(batch3, h, W1, b1, W2, b2)



def _edge_pass(p, q, src, dst):
    mesh = plsc.VectorSubcoreMesh(core_axis_name="c", subcore_axis_name="s")

    @functools.partial(
        pl.kernel,
        out_type=jax.ShapeDtypeStruct((_NC, N, F), jnp.float32),
        mesh=mesh,
        scratch_types=[
            pltpu.VMEM((_CH,), jnp.int32),
            pltpu.VMEM((_CH,), jnp.int32),
            pltpu.VMEM((_CH, 2 * F), jnp.float32),
            pltpu.VMEM((_CH, F), jnp.float32),
            pltpu.VMEM((_RB, F), jnp.float32),
            pltpu.VMEM_SHARED((N, F), jnp.float32),
            pltpu.SemaphoreType.DMA,
        ],
    )
    def ker(p_hbm, q_hbm, src_hbm, dst_hbm, out_hbm,
            sidx, didx, pg, qv, zb, aggr, sem):
        ci = lax.axis_index("c")
        si = lax.axis_index("s")
        wid = ci * _NS + si

        @pl.loop(0, _RB)
        def _(i):
            for j in range(F // 16):
                zb[i, pl.ds(j * 16, 16)] = jnp.zeros((16,), jnp.float32)

        nblk = jnp.where(si < _NRB % _NS, _NRB // _NS + 1, _NRB // _NS)

        @pl.loop(0, nblk)
        def _(k):
            pltpu.sync_copy(zb, aggr.at[pl.ds((si + k * _NS) * _RB, _RB)])

        plsc.subcore_barrier()

        @pl.loop(0, _NCHUNK)
        def _(t):
            base = wid * _EPT + t * _CH
            pltpu.sync_copy(src_hbm.at[pl.ds(base, _CH)], sidx)
            pltpu.sync_copy(dst_hbm.at[pl.ds(base, _CH)], didx)
            dg = pltpu.async_copy(p_hbm.at[sidx], pg, sem)
            pltpu.sync_copy(q_hbm.at[pl.ds(base, _CH)], qv)
            dg.wait()

            @pl.loop(0, _CH)
            def _(i):
                for j in range(F // 16):
                    sl = pl.ds(j * 16, 16)
                    qv[i, sl] = jnp.maximum(pg[i, sl] + qv[i, sl], 0.0)

            pltpu.sync_copy(qv, aggr.at[didx], add=True)

        plsc.subcore_barrier()

        @pl.loop(0, nblk)
        def _(k):
            r0 = (si + k * _NS) * _RB
            pltpu.sync_copy(aggr.at[pl.ds(r0, _RB)],
                            out_hbm.at[ci].at[pl.ds(r0, _RB)])

    return ker(p, q, src, dst)



def kernel(x, edge_index, edge_attr, batch, params):
    Wn, bn = params["node_emb"]
    We, be = params["edge_emb"]
    layers = params["layers"]
    src = edge_index[0]
    dst = edge_index[1]

    Wm_top, Wm_bot, p_bias, Wc, Wt, Wb, bu = [], [], [], [], [], [], []
    for lp in layers:
        Wm = lp["Wm"]
        Wm_top.append(Wm[:F])
        Wm_bot.append(Wm[F:])
        p_bias.append((lp["bm"] + be @ Wm[F:]).reshape(1, F))
        Wc.append(We @ Wm[F:])
        Wu = lp["Wu"]
        Wt.append(Wu[:F])
        Wb.append(_C * Wu[F:])
        bu.append(lp["bu"].reshape(1, F))
    Wc_all = jnp.concatenate(Wc, axis=1)

    h, p = _embed_call(x, Wn, bn.reshape(1, F), Wm_top[0], p_bias[0])
    qs = _q_call(edge_attr, Wc_all)

    for l in range(LAYERS):
        parts = _edge_pass(p, qs[l], src, dst)
        if l + 1 < LAYERS:
            h, p = _update_call(h, parts, Wt[l], Wb[l], bu[l],
                                Wm_top[l + 1], p_bias[l + 1])
        else:
            (h,) = _update_call(h, parts, Wt[l], Wb[l], bu[l])

    W1, b1 = params["r1"]
    W2, b2 = params["r2"]
    batch3 = batch.reshape(N // 2000, 1, 2000)
    return _pool_readout_call(h, batch3, W1, b1.reshape(1, F),
                              W2, b2.reshape(1, 1))

# --- scband reference (transcript-rebuilt; emitter-appended) ---
"""Pipeline reference for scband-mpnnmodel-31267361914920 (READ-ONLY COPY).

The authoritative reference and input builder live on the scoring server;
editing this copy changes nothing except your own understanding.
"""

import jax, jax.numpy as jnp
import numpy as np

N = 10000
E = 320000
G = 64
NODE_IN = 128
EDGE_IN = 16
NODE_EMB = 64
EDGE_EMB = 32
HID = 64
LAYERS = 3
OUT = 1


def _lin_init(key, fin, fout):
    k1, k2 = jax.random.split(key)
    lim = 1.0 / np.sqrt(fin)
    W = jax.random.uniform(k1, (fin, fout), jnp.float32, -lim, lim)
    b = jax.random.uniform(k2, (fout,), jnp.float32, -lim, lim)
    return (W, b)


def setup_inputs(seed: int = 0) -> dict:
    key = jax.random.key(seed)
    ks = jax.random.split(key, 11)
    x = jax.random.normal(ks[0], (N, NODE_IN), jnp.float32)
    edge_index = jax.random.randint(ks[1], (2, E), 0, N, dtype=jnp.int32)
    edge_attr = jax.random.normal(ks[2], (E, EDGE_IN), jnp.float32)
    batch = jnp.sort(jax.random.randint(ks[3], (N,), 0, G, dtype=jnp.int32))
    params = {}
    params["node_emb"] = _lin_init(ks[4], NODE_IN, NODE_EMB)
    params["edge_emb"] = _lin_init(ks[5], EDGE_IN, EDGE_EMB)
    layers = []
    for i in range(LAYERS):
        kk = jax.random.split(ks[6 + i], 2)
        nd = NODE_EMB if i == 0 else HID
        Wm, bm = _lin_init(kk[0], nd + EDGE_EMB, HID)
        Wu, bu = _lin_init(kk[1], nd + HID, HID)
        layers.append({
            "Wm": Wm, "bm": bm,
            "gm": jnp.ones((HID,), jnp.float32), "betam": jnp.zeros((HID,), jnp.float32),
            "Wu": Wu, "bu": bu,
            "gu": jnp.ones((HID,), jnp.float32), "betau": jnp.zeros((HID,), jnp.float32),
        })
    params["layers"] = layers
    params["r1"] = _lin_init(ks[9], HID, HID)
    params["r2"] = _lin_init(ks[10], HID, OUT)
    return {"x": x, "edge_index": edge_index, "edge_attr": edge_attr, "batch": batch, "params": params}


def _bn_eval(h, gamma, beta):
    # BatchNorm1d in eval mode with init running stats (mean=0, var=1)
    return (h - 0.0) / jnp.sqrt(1.0 + 1e-5) * gamma + beta


def reference(x, edge_index, edge_attr, batch, params):
    # node / edge embeddings
    h = x @ params["node_emb"][0] + params["node_emb"][1]
    ea = edge_attr @ params["edge_emb"][0] + params["edge_emb"][1]
    src = edge_index[0]
    dst = edge_index[1]
    for lp in params["layers"]:
        # message: MLP(cat(x_j, edge_attr)); Linear -> ReLU -> BN(eval) -> Dropout(eval=identity)
        xj = jnp.take(h, src, axis=0)
        m = jnp.concatenate([xj, ea], axis=-1) @ lp["Wm"] + lp["bm"]
        m = _bn_eval(jax.nn.relu(m), lp["gm"], lp["betam"])
        # aggregate: sum over destination nodes
        aggr = jax.ops.segment_sum(m, dst, num_segments=N)
        # update: MLP(cat(x, aggr_out))
        u = jnp.concatenate([h, aggr], axis=-1) @ lp["Wu"] + lp["bu"]
        h = _bn_eval(jax.nn.relu(u), lp["gu"], lp["betau"])
    # global_add_pool over graph ids
    g = jax.ops.segment_sum(h, batch, num_segments=G)
    # readout MLP (dropout inactive in eval)
    r = jax.nn.relu(g @ params["r1"][0] + params["r1"][1])
    out = r @ params["r2"][0] + params["r2"][1]
    return out

if __name__ == "__main__":
    import jax
    _d = setup_inputs()
    print(jax.jit(kernel)(*tuple(_d.values())))

</pallas_src>

<mosaic_0001>
#map = affine_map<(d0, d1) -> (0, 0)>
#map1 = affine_map<(d0, d1) -> (0)>
#map2 = affine_map<(d0, d1) -> (0, 0, 0)>
module attributes {stable_mosaic.version = 14 : i64} {
  func.func @ker(%arg0: i32, %arg1: i32, %arg2: memref<10000x128xf32, #tpu.memory_space<hbm>>, %arg3: memref<320000x64xf32, #tpu.memory_space<hbm>>, %arg4: memref<320000xi32, #tpu.memory_space<hbm>>, %arg5: memref<320000xi32, #tpu.memory_space<hbm>>, %arg6: memref<2x10000x64xf32, #tpu.memory_space<hbm>>, %arg7: memref<80xi32, #tpu.memory_space<vmem>>, %arg8: memref<80xi32, #tpu.memory_space<vmem>>, %arg9: memref<80x128xf32, #tpu.memory_space<vmem>>, %arg10: memref<80x64xf32, #tpu.memory_space<vmem>>, %arg11: memref<80x64xf32, #tpu.memory_space<vmem>>, %arg12: memref<10000x64xf32, #tpu.memory_space<vmem_shared>>, %arg13: memref<!tpu.dma_semaphore, #tpu.memory_space<semaphore_mem>>) attributes {dimension_semantics = [#tpu.dimension_semantics<core_parallel>, #tpu.dimension_semantics<subcore_parallel>], iteration_bounds = array<i64: 2, 16>, scalar_prefetch = 0 : i64, scratch_operands = 7 : i64, tpu.core_type = #tpu.core_type<sc_vector_subcore>, window_params = [{transform_indices = #map}, {transform_indices = #map}, {transform_indices = #map1}, {transform_indices = #map1}, {transform_indices = #map2}]} {
    %mul3A = arith.constant 16 : i32
    %mul3A_0 = arith.muli %arg0, %mul3A : i32
    %add3A = arith.addi %mul3A_0, %arg1 : i32
    %scan3A = arith.constant 0 : i32
    %scan3A_1 = arith.constant 80 : i32
    %scan3A_2 = arith.addi %scan3A, %scan3A_1 : i32
    %scan3A_3 = arith.constant 1 : i32
    scf.for %scan3A_48 = %scan3A to %scan3A_2 step %scan3A_3  : i32 {
      %mul3A_49 = arith.constant 1 : i32
      %mul3A_50 = arith.muli %scan3A_48, %mul3A_49 : i32
      %add3A_51 = arith.constant 0 : i32
      %add3A_52 = arith.addi %add3A_51, %mul3A_50 : i32
      %broadcast_in_dim3A = arith.constant 0.000000e+00 : f32
      %broadcast_in_dim3A_53 = vector.broadcast %broadcast_in_dim3A : f32 to vector<16xf32>
      %swap3A = arith.index_cast %add3A_52 : i32 to index
      %swap3A_54 = arith.constant 0 : index
      %swap3A_55 = tpu.vector_load %arg11[%swap3A, %swap3A_54] {strides = array<i32>} : memref<80x64xf32, #tpu.memory_space<vmem>>, vector<1x16xf32>,
      %swap3A_56 = vector.shape_cast %swap3A_55 : vector<1x16xf32> to vector<16xf32>
      %swap3A_57 = vector.shape_cast %broadcast_in_dim3A_53 : vector<16xf32> to vector<1x16xf32>
      tpu.vector_store %arg11[%swap3A, %swap3A_54], %swap3A_57 {strides = array<i32>} : memref<80x64xf32, #tpu.memory_space<vmem>>, vector<1x16xf32>,
      %broadcast_in_dim3A_58 = arith.constant 0.000000e+00 : f32
      %broadcast_in_dim3A_59 = vector.broadcast %broadcast_in_dim3A_58 : f32 to vector<16xf32>
      %swap3A_60 = arith.index_cast %add3A_52 : i32 to index
      %swap3A_61 = arith.constant 16 : index
      %swap3A_62 = tpu.vector_load %arg11[%swap3A_60, %swap3A_61] {strides = array<i32>} : memref<80x64xf32, #tpu.memory_space<vmem>>, vector<1x16xf32>,
      %swap3A_63 = vector.shape_cast %swap3A_62 : vector<1x16xf32> to vector<16xf32>
      %swap3A_64 = vector.shape_cast %broadcast_in_dim3A_59 : vector<16xf32> to vector<1x16xf32>
      tpu.vector_store %arg11[%swap3A_60, %swap3A_61], %swap3A_64 {strides = array<i32>} : memref<80x64xf32, #tpu.memory_space<vmem>>, vector<1x16xf32>,
      %broadcast_in_dim3A_65 = arith.constant 0.000000e+00 : f32
      %broadcast_in_dim3A_66 = vector.broadcast %broadcast_in_dim3A_65 : f32 to vector<16xf32>
      %swap3A_67 = arith.index_cast %add3A_52 : i32 to index
      %swap3A_68 = arith.constant 32 : index
      %swap3A_69 = tpu.vector_load %arg11[%swap3A_67, %swap3A_68] {strides = array<i32>} : memref<80x64xf32, #tpu.memory_space<vmem>>, vector<1x16xf32>,
      %swap3A_70 = vector.shape_cast %swap3A_69 : vector<1x16xf32> to vector<16xf32>
      %swap3A_71 = vector.shape_cast %broadcast_in_dim3A_66 : vector<16xf32> to vector<1x16xf32>
      tpu.vector_store %arg11[%swap3A_67, %swap3A_68], %swap3A_71 {strides = array<i32>} : memref<80x64xf32, #tpu.memory_space<vmem>>, vector<1x16xf32>,
      %broadcast_in_dim3A_72 = arith.constant 0.000000e+00 : f32
      %broadcast_in_dim3A_73 = vector.broadcast %broadcast_in_dim3A_72 : f32 to vector<16xf32>
      %swap3A_74 = arith.index_cast %add3A_52 : i32 to index
      %swap3A_75 = arith.constant 48 : index
      %swap3A_76 = tpu.vector_load %arg11[%swap3A_74, %swap3A_75] {strides = array<i32>} : memref<80x64xf32, #tpu.memory_space<vmem>>, vector<1x16xf32>,
      %swap3A_77 = vector.shape_cast %swap3A_76 : vector<1x16xf32> to vector<16xf32>
      %swap3A_78 = vector.shape_cast %broadcast_in_dim3A_73 : vector<16xf32> to vector<1x16xf32>
      tpu.vector_store %arg11[%swap3A_74, %swap3A_75], %swap3A_78 {strides = array<i32>} : memref<80x64xf32, #tpu.memory_space<vmem>>, vector<1x16xf32>,
    }
    %scan3A_4 = arith.constant 80 : i32
    %lt3A = arith.constant 13 : i32
    %lt3A_5 = arith.cmpi slt, %arg1, %lt3A : i32
    %jit3A = arith.constant 8 : i32
    %jit3A_6 = arith.constant 7 : i32
    %select_n3A = arith.select %lt3A_5, %jit3A, %jit3A_6 : i32
    %sub3A = arith.constant 0 : i32
    %sub3A_7 = arith.subi %select_n3A, %sub3A : i32
    %sub3A_8 = arith.constant 1 : i32
    %sub3A_9 = arith.constant 1 : i32
    %sub3A_10 = arith.subi %sub3A_8, %sub3A_9 : i32
    %add3A_11 = arith.addi %sub3A_7, %sub3A_10 : i32
    %div3A = arith.constant 1 : i32
    %div3A_12 = arith.divsi %add3A_11, %div3A : i32
    %while3A = arith.constant 1 : i32
    %while3A_13 = arith.constant 0 : i32
    %while3A_14 = arith.constant 0 : i32
    %while3A_15 = arith.subi %div3A_12, %while3A_14 : i32
    %while3A_16 = arith.addi %while3A_14, %while3A_15 : i32
    %while3A_17 = arith.constant 1 : i32
    %while3A_18 = arith.divsi %while3A_15, %while3A_17 : i32
    %while3A_19 = arith.muli %while3A_18, %while3A_17 : i32
    %while3A_20 = arith.addi %while3A_14, %while3A_19 : i32
    %while3A_21 = arith.constant 1 : i32
    scf.for %while3A_48 = %while3A_14 to %while3A_20 step %while3A_21  : i32 {
      %mul3A_49 = arith.muli %while3A_48, %while3A : i32
      %add3A_50 = arith.addi %while3A_13, %mul3A_49 : i32
      %mul3A_51 = arith.constant 16 : i32
      %mul3A_52 = arith.muli %add3A_50, %mul3A_51 : i32
      %add3A_53 = arith.addi %arg1, %mul3A_52 : i32
      %mul3A_54 = arith.constant 80 : i32
      %mul3A_55 = arith.muli %add3A_53, %mul3A_54 : i32
      "tpu.region"() ({
        %run_scoped3A = tpu.sem_alloc : memref<!tpu.dma_semaphore, #tpu.memory_space<semaphore_mem>>
        %dma_start3A = arith.constant 0 : i32
        %dma_start3A_56 = tpu.memref_slice %arg12[%mul3A_55, %dma_start3A] : memref<10000x64xf32, #tpu.memory_space<vmem_shared>> -> memref<80x64xf32, #tpu.memory_space<vmem_shared>>
        %dma_start3A_57 = arith.constant 0 : i32
        %dma_start3A_58 = tpu.memref_slice %arg12[%mul3A_55, %dma_start3A_57] : memref<10000x64xf32, #tpu.memory_space<vmem_shared>> -> memref<80x64xf32, #tpu.memory_space<vmem_shared>>
        tpu.enqueue_dma source(%arg11 : memref<80x64xf32, #tpu.memory_space<vmem>>) target(%dma_start3A_58 : memref<80x64xf32, #tpu.memory_space<vmem_shared>>) target_semaphore(%run_scoped3A : memref<!tpu.dma_semaphore, #tpu.memory_space<semaphore_mem>>)
        %dma_wait3A = arith.constant 0 : i32
        %dma_wait3A_59 = tpu.memref_slice %arg12[%mul3A_55, %dma_wait3A] : memref<10000x64xf32, #tpu.memory_space<vmem_shared>> -> memref<80x64xf32, #tpu.memory_space<vmem_shared>>
        %dma_wait3A_60 = arith.constant 0 : i32
        %dma_wait3A_61 = tpu.memref_slice %arg12[%mul3A_55, %dma_wait3A_60] : memref<10000x64xf32, #tpu.memory_space<vmem_shared>> -> memref<80x64xf32, #tpu.memory_space<vmem_shared>>
        tpu.wait_dma2 semaphore(%run_scoped3A : memref<!tpu.dma_semaphore, #tpu.memory_space<semaphore_mem>>) src(%arg11 : memref<80x64xf32, #tpu.memory_space<vmem>>) dst(%dma_wait3A_61 : memref<80x64xf32, #tpu.memory_space<vmem_shared>>)
        tpu.yield
      }) : () -> ()
    }
    %while3A_22 = arith.constant 1 : i32
    scf.for %while3A_48 = %while3A_20 to %while3A_16 step %while3A_22  : i32 {
      %mul3A_49 = arith.muli %while3A_48, %while3A : i32
      %add3A_50 = arith.addi %while3A_13, %mul3A_49 : i32
      %mul3A_51 = arith.constant 16 : i32
      %mul3A_52 = arith.muli %add3A_50, %mul3A_51 : i32
      %add3A_53 = arith.addi %arg1, %mul3A_52 : i32
      %mul3A_54 = arith.constant 80 : i32
      %mul3A_55 = arith.muli %add3A_53, %mul3A_54 : i32
      "tpu.region"() ({
        %run_scoped3A = tpu.sem_alloc : memref<!tpu.dma_semaphore, #tpu.memory_space<semaphore_mem>>
        %dma_start3A = arith.constant 0 : i32
        %dma_start3A_56 = tpu.memref_slice %arg12[%mul3A_55, %dma_start3A] : memref<10000x64xf32, #tpu.memory_space<vmem_shared>> -> memref<80x64xf32, #tpu.memory_space<vmem_shared>>
        %dma_start3A_57 = arith.constant 0 : i32
        %dma_start3A_58 = tpu.memref_slice %arg12[%mul3A_55, %dma_start3A_57] : memref<10000x64xf32, #tpu.memory_space<vmem_shared>> -> memref<80x64xf32, #tpu.memory_space<vmem_shared>>
        tpu.enqueue_dma source(%arg11 : memref<80x64xf32, #tpu.memory_space<vmem>>) target(%dma_start3A_58 : memref<80x64xf32, #tpu.memory_space<vmem_shared>>) target_semaphore(%run_scoped3A : memref<!tpu.dma_semaphore, #tpu.memory_space<semaphore_mem>>)
        %dma_wait3A = arith.constant 0 : i32
        %dma_wait3A_59 = tpu.memref_slice %arg12[%mul3A_55, %dma_wait3A] : memref<10000x64xf32, #tpu.memory_space<vmem_shared>> -> memref<80x64xf32, #tpu.memory_space<vmem_shared>>
        %dma_wait3A_60 = arith.constant 0 : i32
        %dma_wait3A_61 = tpu.memref_slice %arg12[%mul3A_55, %dma_wait3A_60] : memref<10000x64xf32, #tpu.memory_space<vmem_shared>> -> memref<80x64xf32, #tpu.memory_space<vmem_shared>>
        tpu.wait_dma2 semaphore(%run_scoped3A : memref<!tpu.dma_semaphore, #tpu.memory_space<semaphore_mem>>) src(%arg11 : memref<80x64xf32, #tpu.memory_space<vmem>>) dst(%dma_wait3A_61 : memref<80x64xf32, #tpu.memory_space<vmem_shared>>)
        tpu.yield
      }) : () -> ()
    }
    %barrier3A = arith.constant 0 : index
    tpu.barrier barrier_id(%barrier3A)
    %scan3A_23 = arith.constant 0 : i32
    %scan3A_24 = arith.constant 125 : i32
    %scan3A_25 = arith.addi %scan3A_23, %scan3A_24 : i32
    %scan3A_26 = arith.constant 1 : i32
    scf.for %scan3A_48 = %scan3A_23 to %scan3A_25 step %scan3A_26  : i32 {
      %mul3A_49 = arith.constant 1 : i32
      %mul3A_50 = arith.muli %scan3A_48, %mul3A_49 : i32
      %add3A_51 = arith.constant 0 : i32
      %add3A_52 = arith.addi %add3A_51, %mul3A_50 : i32
      %mul3A_53 = arith.constant 10000 : i32
      %mul3A_54 = arith.muli %add3A, %mul3A_53 : i32
      %mul3A_55 = arith.constant 80 : i32
      %mul3A_56 = arith.muli %add3A_52, %mul3A_55 : i32
      %add3A_57 = arith.addi %mul3A_54, %mul3A_56 : i32
      "tpu.region"() ({
        %run_scoped3A = tpu.sem_alloc : memref<!tpu.dma_semaphore, #tpu.memory_space<semaphore_mem>>
        %dma_start3A_67 = tpu.memref_slice %arg4[%add3A_57] : memref<320000xi32, #tpu.memory_space<hbm>> -> memref<80xi32, #tpu.memory_space<hbm>>
        %dma_start3A_68 = tpu.memref_slice %arg4[%add3A_57] : memref<320000xi32, #tpu.memory_space<hbm>> -> memref<80xi32, #tpu.memory_space<hbm>>
        tpu.enqueue_dma source(%dma_start3A_68 : memref<80xi32, #tpu.memory_space<hbm>>) target(%arg7 : memref<80xi32, #tpu.memory_space<vmem>>) target_semaphore(%run_scoped3A : memref<!tpu.dma_semaphore, #tpu.memory_space<semaphore_mem>>)
        %dma_wait3A_69 = tpu.memref_slice %arg4[%add3A_57] : memref<320000xi32, #tpu.memory_space<hbm>> -> memref<80xi32, #tpu.memory_space<hbm>>
        %dma_wait3A_70 = tpu.memref_slice %arg4[%add3A_57] : memref<320000xi32, #tpu.memory_space<hbm>> -> memref<80xi32, #tpu.memory_space<hbm>>
        tpu.wait_dma2 semaphore(%run_scoped3A : memref<!tpu.dma_semaphore, #tpu.memory_space<semaphore_mem>>) src(%dma_wait3A_70 : memref<80xi32, #tpu.memory_space<hbm>>) dst(%arg7 : memref<80xi32, #tpu.memory_space<vmem>>)
        tpu.yield
      }) : () -> ()
      "tpu.region"() ({
        %run_scoped3A = tpu.sem_alloc : memref<!tpu.dma_semaphore, #tpu.memory_space<semaphore_mem>>
        %dma_start3A_67 = tpu.memref_slice %arg5[%add3A_57] : memref<320000xi32, #tpu.memory_space<hbm>> -> memref<80xi32, #tpu.memory_space<hbm>>
        %dma_start3A_68 = tpu.memref_slice %arg5[%add3A_57] : memref<320000xi32, #tpu.memory_space<hbm>> -> memref<80xi32, #tpu.memory_space<hbm>>
        tpu.enqueue_dma source(%dma_start3A_68 : memref<80xi32, #tpu.memory_space<hbm>>) target(%arg8 : memref<80xi32, #tpu.memory_space<vmem>>) target_semaphore(%run_scoped3A : memref<!tpu.dma_semaphore, #tpu.memory_space<semaphore_mem>>)
        %dma_wait3A_69 = tpu.memref_slice %arg5[%add3A_57] : memref<320000xi32, #tpu.memory_space<hbm>> -> memref<80xi32, #tpu.memory_space<hbm>>
        %dma_wait3A_70 = tpu.memref_slice %arg5[%add3A_57] : memref<320000xi32, #tpu.memory_space<hbm>> -> memref<80xi32, #tpu.memory_space<hbm>>
        tpu.wait_dma2 semaphore(%run_scoped3A : memref<!tpu.dma_semaphore, #tpu.memory_space<semaphore_mem>>) src(%dma_wait3A_70 : memref<80xi32, #tpu.memory_space<hbm>>) dst(%arg8 : memref<80xi32, #tpu.memory_space<vmem>>)
        tpu.yield
      }) : () -> ()
      %dma_start3A = arith.constant 0 : i32
      %dma_start3A_58 = arith.constant 0 : i32
      %dma_start3A_59 = tpu.memref_slice %arg2[%dma_start3A, %dma_start3A_58] : memref<10000x128xf32, #tpu.memory_space<hbm>> -> memref<10000x128xf32, #tpu.memory_space<hbm>>
      tpu.enqueue_indirect_dma source(%dma_start3A_59 : memref<10000x128xf32, #tpu.memory_space<hbm>>) target(%arg9 : memref<80x128xf32, #tpu.memory_space<vmem>>) offsets(%arg7 : memref<80xi32, #tpu.memory_space<vmem>>) semaphore(%arg13 : memref<!tpu.dma_semaphore, #tpu.memory_space<semaphore_mem>>)
      "tpu.region"() ({
        %run_scoped3A = tpu.sem_alloc : memref<!tpu.dma_semaphore, #tpu.memory_space<semaphore_mem>>
        %dma_start3A_67 = arith.constant 0 : i32
        %dma_start3A_68 = tpu.memref_slice %arg3[%add3A_57, %dma_start3A_67] : memref<320000x64xf32, #tpu.memory_space<hbm>> -> memref<80x64xf32, #tpu.memory_space<hbm>>
        %dma_start3A_69 = arith.constant 0 : i32
        %dma_start3A_70 = tpu.memref_slice %arg3[%add3A_57, %dma_start3A_69] : memref<320000x64xf32, #tpu.memory_space<hbm>> -> memref<80x64xf32, #tpu.memory_space<hbm>>
        tpu.enqueue_dma source(%dma_start3A_70 : memref<80x64xf32, #tpu.memory_space<hbm>>) target(%arg10 : memref<80x64xf32, #tpu.memory_space<vmem>>) target_semaphore(%run_scoped3A : memref<!tpu.dma_semaphore, #tpu.memory_space<semaphore_mem>>)
        %dma_wait3A_71 = arith.constant 0 : i32
        %dma_wait3A_72 = tpu.memref_slice %arg3[%add3A_57, %dma_wait3A_71] : memref<320000x64xf32, #tpu.memory_space<hbm>> -> memref<80x64xf32, #tpu.memory_space<hbm>>
        %dma_wait3A_73 = arith.constant 0 : i32
        %dma_wait3A_74 = tpu.memref_slice %arg3[%add3A_57, %dma_wait3A_73] : memref<320000x64xf32, #tpu.memory_space<hbm>> -> memref<80x64xf32, #tpu.memory_space<hbm>>
        tpu.wait_dma2 semaphore(%run_scoped3A : memref<!tpu.dma_semaphore, #tpu.memory_space<semaphore_mem>>) src(%dma_wait3A_74 : memref<80x64xf32, #tpu.memory_space<hbm>>) dst(%arg10 : memref<80x64xf32, #tpu.memory_space<vmem>>)
        tpu.yield
      }) : () -> ()
      %dma_wait3A = arith.constant 0 : i32
      %dma_wait3A_60 = arith.constant 0 : i32
      %dma_wait3A_61 = tpu.memref_slice %arg2[%dma_wait3A, %dma_wait3A_60] : memref<10000x128xf32, #tpu.memory_space<hbm>> -> memref<10000x128xf32, #tpu.memory_space<hbm>>
      tpu.wait_indirect_dma semaphore(%arg13 : memref<!tpu.dma_semaphore, #tpu.memory_space<semaphore_mem>>) src(%dma_wait3A_61 : memref<10000x128xf32, #tpu.memory_space<hbm>>) dst(%arg9 : memref<80x128xf32, #tpu.memory_space<vmem>>)
      %scan3A_62 = arith.constant 0 : i32
      %scan3A_63 = arith.constant 80 : i32
      %scan3A_64 = arith.addi %scan3A_62, %scan3A_63 : i32
      %scan3A_65 = arith.constant 1 : i32
      scf.for %scan3A_67 = %scan3A_62 to %scan3A_64 step %scan3A_65  : i32 {
        %mul3A_68 = arith.constant 1 : i32
        %mul3A_69 = arith.muli %scan3A_67, %mul3A_68 : i32
        %add3A_70 = arith.constant 0 : i32
        %add3A_71 = arith.addi %add3A_70, %mul3A_69 : i32
        %get3A = arith.index_cast %add3A_71 : i32 to index
        %get3A_72 = arith.constant 0 : index
        %get3A_73 = tpu.vector_load %arg9[%get3A, %get3A_72] {strides = array<i32>} : memref<80x128xf32, #tpu.memory_space<vmem>>, vector<1x16xf32>,
        %get3A_74 = vector.shape_cast %get3A_73 : vector<1x16xf32> to vector<16xf32>
        %get3A_75 = arith.index_cast %add3A_71 : i32 to index
        %get3A_76 = arith.constant 0 : index
        %get3A_77 = tpu.vector_load %arg10[%get3A_75, %get3A_76] {strides = array<i32>} : memref<80x64xf32, #tpu.memory_space<vmem>>, vector<1x16xf32>,
        %get3A_78 = vector.shape_cast %get3A_77 : vector<1x16xf32> to vector<16xf32>
        %add3A_79 = arith.addf %get3A_74, %get3A_78 : vector<16xf32>
        %max3A = arith.constant 0.000000e+00 : f32
        %max3A_80 = vector.broadcast %max3A : f32 to vector<16xf32>
        %max3A_81 = arith.maximumf %add3A_79, %max3A_80 : vector<16xf32>
        %swap3A = arith.index_cast %add3A_71 : i32 to index
        %swap3A_82 = arith.constant 0 : index
        %swap3A_83 = tpu.vector_load %arg10[%swap3A, %swap3A_82] {strides = array<i32>} : memref<80x64xf32, #tpu.memory_space<vmem>>, vector<1x16xf32>,
        %swap3A_84 = vector.shape_cast %swap3A_83 : vector<1x16xf32> to vector<16xf32>
        %swap3A_85 = vector.shape_cast %max3A_81 : vector<16xf32> to vector<1x16xf32>
        tpu.vector_store %arg10[%swap3A, %swap3A_82], %swap3A_85 {strides = array<i32>} : memref<80x64xf32, #tpu.memory_space<vmem>>, vector<1x16xf32>,
        %get3A_86 = arith.index_cast %add3A_71 : i32 to index
        %get3A_87 = arith.constant 16 : index
        %get3A_88 = tpu.vector_load %arg9[%get3A_86, %get3A_87] {strides = array<i32>} : memref<80x128xf32, #tpu.memory_space<vmem>>, vector<1x16xf32>,
        %get3A_89 = vector.shape_cast %get3A_88 : vector<1x16xf32> to vector<16xf32>
        %get3A_90 = arith.index_cast %add3A_71 : i32 to index
        %get3A_91 = arith.constant 16 : index
        %get3A_92 = tpu.vector_load %arg10[%get3A_90, %get3A_91] {strides = array<i32>} : memref<80x64xf32, #tpu.memory_space<vmem>>, vector<1x16xf32>,
        %get3A_93 = vector.shape_cast %get3A_92 : vector<1x16xf32> to vector<16xf32>
        %add3A_94 = arith.addf %get3A_89, %get3A_93 : vector<16xf32>
        %max3A_95 = arith.constant 0.000000e+00 : f32
        %max3A_96 = vector.broadcast %max3A_95 : f32 to vector<16xf32>
        %max3A_97 = arith.maximumf %add3A_94, %max3A_96 : vector<16xf32>
        %swap3A_98 = arith.index_cast %add3A_71 : i32 to index
        %swap3A_99 = arith.constant 16 : index
        %swap3A_100 = tpu.vector_load %arg10[%swap3A_98, %swap3A_99] {strides = array<i32>} : memref<80x64xf32, #tpu.memory_space<vmem>>, vector<1x16xf32>,
        %swap3A_101 = vector.shape_cast %swap3A_100 : vector<1x16xf32> to vector<16xf32>
        %swap3A_102 = vector.shape_cast %max3A_97 : vector<16xf32> to vector<1x16xf32>
        tpu.vector_store %arg10[%swap3A_98, %swap3A_99], %swap3A_102 {strides = array<i32>} : memref<80x64xf32, #tpu.memory_space<vmem>>, vector<1x16xf32>,
        %get3A_103 = arith.index_cast %add3A_71 : i32 to index
        %get3A_104 = arith.constant 32 : index
        %get3A_105 = tpu.vector_load %arg9[%get3A_103, %get3A_104] {strides = array<i32>} : memref<80x128xf32, #tpu.memory_space<vmem>>, vector<1x16xf32>,
        %get3A_106 = vector.shape_cast %get3A_105 : vector<1x16xf32> to vector<16xf32>
        %get3A_107 = arith.index_cast %add3A_71 : i32 to index
        %get3A_108 = arith.constant 32 : index
        %get3A_109 = tpu.vector_load %arg10[%get3A_107, %get3A_108] {strides = array<i32>} : memref<80x64xf32, #tpu.memory_space<vmem>>, vector<1x16xf32>,
        %get3A_110 = vector.shape_cast %get3A_109 : vector<1x16xf32> to vector<16xf32>
        %add3A_111 = arith.addf %get3A_106, %get3A_110 : vector<16xf32>
        %max3A_112 = arith.constant 0.000000e+00 : f32
        %max3A_113 = vector.broadcast %max3A_112 : f32 to vector<16xf32>
        %max3A_114 = arith.maximumf %add3A_111, %max3A_113 : vector<16xf32>
        %swap3A_115 = arith.index_cast %add3A_71 : i32 to index
        %swap3A_116 = arith.constant 32 : index
        %swap3A_117 = tpu.vector_load %arg10[%swap3A_115, %swap3A_116] {strides = array<i32>} : memref<80x64xf32, #tpu.memory_space<vmem>>, vector<1x16xf32>,
        %swap3A_118 = vector.shape_cast %swap3A_117 : vector<1x16xf32> to vector<16xf32>
        %swap3A_119 = vector.shape_cast %max3A_114 : vector<16xf32> to vector<1x16xf32>
        tpu.vector_store %arg10[%swap3A_115, %swap3A_116], %swap3A_119 {strides = array<i32>} : memref<80x64xf32, #tpu.memory_space<vmem>>, vector<1x16xf32>,
        %get3A_120 = arith.index_cast %add3A_71 : i32 to index
        %get3A_121 = arith.constant 48 : index
        %get3A_122 = tpu.vector_load %arg9[%get3A_120, %get3A_121] {strides = array<i32>} : memref<80x128xf32, #tpu.memory_space<vmem>>, vector<1x16xf32>,
        %get3A_123 = vector.shape_cast %get3A_122 : vector<1x16xf32> to vector<16xf32>
        %get3A_124 = arith.index_cast %add3A_71 : i32 to index
        %get3A_125 = arith.constant 48 : index
        %get3A_126 = tpu.vector_load %arg10[%get3A_124, %get3A_125] {strides = array<i32>} : memref<80x64xf32, #tpu.memory_space<vmem>>, vector<1x16xf32>,
        %get3A_127 = vector.shape_cast %get3A_126 : vector<1x16xf32> to vector<16xf32>
        %add3A_128 = arith.addf %get3A_123, %get3A_127 : vector<16xf32>
        %max3A_129 = arith.constant 0.000000e+00 : f32
        %max3A_130 = vector.broadcast %max3A_129 : f32 to vector<16xf32>
        %max3A_131 = arith.maximumf %add3A_128, %max3A_130 : vector<16xf32>
        %swap3A_132 = arith.index_cast %add3A_71 : i32 to index
        %swap3A_133 = arith.constant 48 : index
        %swap3A_134 = tpu.vector_load %arg10[%swap3A_132, %swap3A_133] {strides = array<i32>} : memref<80x64xf32, #tpu.memory_space<vmem>>, vector<1x16xf32>,
        %swap3A_135 = vector.shape_cast %swap3A_134 : vector<1x16xf32> to vector<16xf32>
        %swap3A_136 = vector.shape_cast %max3A_131 : vector<16xf32> to vector<1x16xf32>
        tpu.vector_store %arg10[%swap3A_132, %swap3A_133], %swap3A_136 {strides = array<i32>} : memref<80x64xf32, #tpu.memory_space<vmem>>, vector<1x16xf32>,
      }
      %scan3A_66 = arith.constant 80 : i32
      "tpu.region"() ({
        %run_scoped3A = tpu.sem_alloc : memref<!tpu.dma_semaphore, #tpu.memory_space<semaphore_mem>>
        %dma_start3A_67 = arith.constant 0 : i32
        %dma_start3A_68 = arith.constant 0 : i32
        %dma_start3A_69 = tpu.memref_slice %arg12[%dma_start3A_67, %dma_start3A_68] : memref<10000x64xf32, #tpu.memory_space<vmem_shared>> -> memref<10000x64xf32, #tpu.memory_space<vmem_shared>>
        tpu.enqueue_indirect_dma source(%arg10 : memref<80x64xf32, #tpu.memory_space<vmem>>) target(%dma_start3A_69 : memref<10000x64xf32, #tpu.memory_space<vmem_shared>>) offsets(%arg8 : memref<80xi32, #tpu.memory_space<vmem>>) semaphore(%run_scoped3A : memref<!tpu.dma_semaphore, #tpu.memory_space<semaphore_mem>>) {add = true}
        %dma_wait3A_70 = arith.constant 0 : i32
        %dma_wait3A_71 = arith.constant 0 : i32
        %dma_wait3A_72 = tpu.memref_slice %arg12[%dma_wait3A_70, %dma_wait3A_71] : memref<10000x64xf32, #tpu.memory_space<vmem_shared>> -> memref<10000x64xf32, #tpu.memory_space<vmem_shared>>
        tpu.wait_indirect_dma semaphore(%run_scoped3A : memref<!tpu.dma_semaphore, #tpu.memory_space<semaphore_mem>>) src(%arg10 : memref<80x64xf32, #tpu.memory_space<vmem>>) dst(%dma_wait3A_72 : memref<10000x64xf32, #tpu.memory_space<vmem_shared>>)
        tpu.yield
      }) : () -> ()
    }
    %scan3A_27 = arith.constant 125 : i32
    %barrier3A_28 = arith.constant 0 : index
    tpu.barrier barrier_id(%barrier3A_28)
    %sub3A_29 = arith.constant 0 : i32
    %sub3A_30 = arith.subi %select_n3A, %sub3A_29 : i32
    %sub3A_31 = arith.constant 1 : i32
    %sub3A_32 = arith.constant 1 : i32
    %sub3A_33 = arith.subi %sub3A_31, %sub3A_32 : i32
    %add3A_34 = arith.addi %sub3A_30, %sub3A_33 : i32
    %div3A_35 = arith.constant 1 : i32
    %div3A_36 = arith.divsi %add3A_34, %div3A_35 : i32
    %while3A_37 = arith.constant 1 : i32
    %while3A_38 = arith.constant 0 : i32
    %while3A_39 = arith.constant 0 : i32
    %while3A_40 = arith.subi %div3A_36, %while3A_39 : i32
    %while3A_41 = arith.addi %while3A_39, %while3A_40 : i32
    %while3A_42 = arith.constant 1 : i32
    %while3A_43 = arith.divsi %while3A_40, %while3A_42 : i32
    %while3A_44 = arith.muli %while3A_43, %while3A_42 : i32
    %while3A_45 = arith.addi %while3A_39, %while3A_44 : i32
    %while3A_46 = arith.constant 1 : i32
    scf.for %while3A_48 = %while3A_39 to %while3A_45 step %while3A_46  : i32 {
      %mul3A_49 = arith.muli %while3A_48, %while3A_37 : i32
      %add3A_50 = arith.addi %while3A_38, %mul3A_49 : i32
      %mul3A_51 = arith.constant 16 : i32
      %mul3A_52 = arith.muli %add3A_50, %mul3A_51 : i32
      %add3A_53 = arith.addi %arg1, %mul3A_52 : i32
      %mul3A_54 = arith.constant 80 : i32
      %mul3A_55 = arith.muli %add3A_53, %mul3A_54 : i32
      "tpu.region"() ({
        %run_scoped3A = tpu.sem_alloc : memref<!tpu.dma_semaphore, #tpu.memory_space<semaphore_mem>>
        %dma_start3A = arith.constant 0 : i32
        %dma_start3A_56 = arith.constant 0 : i32
        %dma_start3A_57 = tpu.memref_slice %arg6[%arg0, %dma_start3A, %dma_start3A_56] : memref<2x10000x64xf32, #tpu.memory_space<hbm>> -> memref<1x10000x64xf32, #tpu.memory_space<hbm>>
        %dma_start3A_58 = tpu.memref_squeeze %dma_start3A_57 : memref<1x10000x64xf32, #tpu.memory_space<hbm>> -> memref<10000x64xf32, #tpu.memory_space<hbm>>
        %dma_start3A_59 = arith.constant 0 : i32
        %dma_start3A_60 = tpu.memref_slice %dma_start3A_58[%mul3A_55, %dma_start3A_59] : memref<10000x64xf32, #tpu.memory_space<hbm>> -> memref<80x64xf32, #tpu.memory_space<hbm>>
        %dma_start3A_61 = arith.constant 0 : i32
        %dma_start3A_62 = tpu.memref_slice %arg12[%mul3A_55, %dma_start3A_61] : memref<10000x64xf32, #tpu.memory_space<vmem_shared>> -> memref<80x64xf32, #tpu.memory_space<vmem_shared>>
        tpu.enqueue_dma source(%dma_start3A_62 : memref<80x64xf32, #tpu.memory_space<vmem_shared>>) target(%dma_start3A_60 : memref<80x64xf32, #tpu.memory_space<hbm>>) target_semaphore(%run_scoped3A : memref<!tpu.dma_semaphore, #tpu.memory_space<semaphore_mem>>)
        %dma_wait3A = arith.constant 0 : i32
        %dma_wait3A_63 = arith.constant 0 : i32
        %dma_wait3A_64 = tpu.memref_slice %arg6[%arg0, %dma_wait3A, %dma_wait3A_63] : memref<2x10000x64xf32, #tpu.memory_space<hbm>> -> memref<1x10000x64xf32, #tpu.memory_space<hbm>>
        %dma_wait3A_65 = tpu.memref_squeeze %dma_wait3A_64 : memref<1x10000x64xf32, #tpu.memory_space<hbm>> -> memref<10000x64xf32, #tpu.memory_space<hbm>>
        %dma_wait3A_66 = arith.constant 0 : i32
        %dma_wait3A_67 = tpu.memref_slice %dma_wait3A_65[%mul3A_55, %dma_wait3A_66] : memref<10000x64xf32, #tpu.memory_space<hbm>> -> memref<80x64xf32, #tpu.memory_space<hbm>>
        %dma_wait3A_68 = arith.constant 0 : i32
        %dma_wait3A_69 = tpu.memref_slice %arg12[%mul3A_55, %dma_wait3A_68] : memref<10000x64xf32, #tpu.memory_space<vmem_shared>> -> memref<80x64xf32, #tpu.memory_space<vmem_shared>>
        tpu.wait_dma2 semaphore(%run_scoped3A : memref<!tpu.dma_semaphore, #tpu.memory_space<semaphore_mem>>) src(%dma_wait3A_69 : memref<80x64xf32, #tpu.memory_space<vmem_shared>>) dst(%dma_wait3A_67 : memref<80x64xf32, #tpu.memory_space<hbm>>)
        tpu.yield
      }) : () -> ()
    }
    %while3A_47 = arith.constant 1 : i32
    scf.for %while3A_48 = %while3A_45 to %while3A_41 step %while3A_47  : i32 {
      %mul3A_49 = arith.muli %while3A_48, %while3A_37 : i32
      %add3A_50 = arith.addi %while3A_38, %mul3A_49 : i32
      %mul3A_51 = arith.constant 16 : i32
      %mul3A_52 = arith.muli %add3A_50, %mul3A_51 : i32
      %add3A_53 = arith.addi %arg1, %mul3A_52 : i32
      %mul3A_54 = arith.constant 80 : i32
      %mul3A_55 = arith.muli %add3A_53, %mul3A_54 : i32
      "tpu.region"() ({
        %run_scoped3A = tpu.sem_alloc : memref<!tpu.dma_semaphore, #tpu.memory_space<semaphore_mem>>
        %dma_start3A = arith.constant 0 : i32
        %dma_start3A_56 = arith.constant 0 : i32
        %dma_start3A_57 = tpu.memref_slice %arg6[%arg0, %dma_start3A, %dma_start3A_56] : memref<2x10000x64xf32, #tpu.memory_space<hbm>> -> memref<1x10000x64xf32, #tpu.memory_space<hbm>>
        %dma_start3A_58 = tpu.memref_squeeze %dma_start3A_57 : memref<1x10000x64xf32, #tpu.memory_space<hbm>> -> memref<10000x64xf32, #tpu.memory_space<hbm>>
        %dma_start3A_59 = arith.constant 0 : i32
        %dma_start3A_60 = tpu.memref_slice %dma_start3A_58[%mul3A_55, %dma_start3A_59] : memref<10000x64xf32, #tpu.memory_space<hbm>> -> memref<80x64xf32, #tpu.memory_space<hbm>>
        %dma_start3A_61 = arith.constant 0 : i32
        %dma_start3A_62 = tpu.memref_slice %arg12[%mul3A_55, %dma_start3A_61] : memref<10000x64xf32, #tpu.memory_space<vmem_shared>> -> memref<80x64xf32, #tpu.memory_space<vmem_shared>>
        tpu.enqueue_dma source(%dma_start3A_62 : memref<80x64xf32, #tpu.memory_space<vmem_shared>>) target(%dma_start3A_60 : memref<80x64xf32, #tpu.memory_space<hbm>>) target_semaphore(%run_scoped3A : memref<!tpu.dma_semaphore, #tpu.memory_space<semaphore_mem>>)
        %dma_wait3A = arith.constant 0 : i32
        %dma_wait3A_63 = arith.constant 0 : i32
        %dma_wait3A_64 = tpu.memref_slice %arg6[%arg0, %dma_wait3A, %dma_wait3A_63] : memref<2x10000x64xf32, #tpu.memory_space<hbm>> -> memref<1x10000x64xf32, #tpu.memory_space<hbm>>
        %dma_wait3A_65 = tpu.memref_squeeze %dma_wait3A_64 : memref<1x10000x64xf32, #tpu.memory_space<hbm>> -> memref<10000x64xf32, #tpu.memory_space<hbm>>
        %dma_wait3A_66 = arith.constant 0 : i32
        %dma_wait3A_67 = tpu.memref_slice %dma_wait3A_65[%mul3A_55, %dma_wait3A_66] : memref<10000x64xf32, #tpu.memory_space<hbm>> -> memref<80x64xf32, #tpu.memory_space<hbm>>
        %dma_wait3A_68 = arith.constant 0 : i32
        %dma_wait3A_69 = tpu.memref_slice %arg12[%mul3A_55, %dma_wait3A_68] : memref<10000x64xf32, #tpu.memory_space<vmem_shared>> -> memref<80x64xf32, #tpu.memory_space<vmem_shared>>
        tpu.wait_dma2 semaphore(%run_scoped3A : memref<!tpu.dma_semaphore, #tpu.memory_space<semaphore_mem>>) src(%dma_wait3A_69 : memref<80x64xf32, #tpu.memory_space<vmem_shared>>) dst(%dma_wait3A_67 : memref<80x64xf32, #tpu.memory_space<hbm>>)
        tpu.yield
      }) : () -> ()
    }
    return
  }
}

#map = affine_map<(d0, d1) -> (0, 0)>
#map1 = affine_map<(d0, d1) -> (0)>
#map2 = affine_map<(d0, d1) -> (0, 0, 0)>
module attributes {stable_mosaic.version = 14 : i64} {
  func.func @ker(%arg0: i32, %arg1: i32, %arg2: memref<10000x128xf32, #tpu.memory_space<hbm>>, %arg3: memref<320000x64xf32, #tpu.memory_space<hbm>>, %arg4: memref<320000xi32, #tpu.memory_space<hbm>>, %arg5: memref<320000xi32, #tpu.memory_space<hbm>>, %arg6: memref<2x10000x64xf32, #tpu.memory_space<hbm>>, %arg7: memref<80xi32, #tpu.memory_space<vmem>>, %arg8: memref<80xi32, #tpu.memory_space<vmem>>, %arg9: memref<80x128xf32, #tpu.memory_space<vmem>>, %arg10: memref<80x64xf32, #tpu.memory_space<vmem>>, %arg11: memref<80x64xf32, #tpu.memory_space<vmem>>, %arg12: memref<10000x64xf32, #tpu.memory_space<vmem_shared>>, %arg13: memref<!tpu.dma_semaphore, #tpu.memory_space<semaphore_mem>>) attributes {dimension_semantics = [#tpu.dimension_semantics<core_parallel>, #tpu.dimension_semantics<subcore_parallel>], iteration_bounds = array<i64: 2, 16>, scalar_prefetch = 0 : i64, scratch_operands = 7 : i64, tpu.core_type = #tpu.core_type<sc_vector_subcore>, window_params = [{transform_indices = #map}, {transform_indices = #map}, {transform_indices = #map1}, {transform_indices = #map1}, {transform_indices = #map2}]} {
    %mul3A = arith.constant 16 : i32
    %mul3A_0 = arith.muli %arg0, %mul3A : i32
    %add3A = arith.addi %mul3A_0, %arg1 : i32
    %scan3A = arith.constant 0 : i32
    %scan3A_1 = arith.constant 80 : i32
    %scan3A_2 = arith.addi %scan3A, %scan3A_1 : i32
    %scan3A_3 = arith.constant 1 : i32
    scf.for %scan3A_48 = %scan3A to %scan3A_2 step %scan3A_3  : i32 {
      %mul3A_49 = arith.constant 1 : i32
      %mul3A_50 = arith.muli %scan3A_48, %mul3A_49 : i32
      %add3A_51 = arith.constant 0 : i32
      %add3A_52 = arith.addi %add3A_51, %mul3A_50 : i32
      %broadcast_in_dim3A = arith.constant 0.000000e+00 : f32
      %broadcast_in_dim3A_53 = vector.broadcast %broadcast_in_dim3A : f32 to vector<16xf32>
      %swap3A = arith.index_cast %add3A_52 : i32 to index
      %swap3A_54 = arith.constant 0 : index
      %swap3A_55 = tpu.vector_load %arg11[%swap3A, %swap3A_54] {strides = array<i32>} : memref<80x64xf32, #tpu.memory_space<vmem>>, vector<1x16xf32>,
      %swap3A_56 = vector.shape_cast %swap3A_55 : vector<1x16xf32> to vector<16xf32>
      %swap3A_57 = vector.shape_cast %broadcast_in_dim3A_53 : vector<16xf32> to vector<1x16xf32>
      tpu.vector_store %arg11[%swap3A, %swap3A_54], %swap3A_57 {strides = array<i32>} : memref<80x64xf32, #tpu.memory_space<vmem>>, vector<1x16xf32>,
      %broadcast_in_dim3A_58 = arith.constant 0.000000e+00 : f32
      %broadcast_in_dim3A_59 = vector.broadcast %broadcast_in_dim3A_58 : f32 to vector<16xf32>
      %swap3A_60 = arith.index_cast %add3A_52 : i32 to index
      %swap3A_61 = arith.constant 16 : index
      %swap3A_62 = tpu.vector_load %arg11[%swap3A_60, %swap3A_61] {strides = array<i32>} : memref<80x64xf32, #tpu.memory_space<vmem>>, vector<1x16xf32>,
      %swap3A_63 = vector.shape_cast %swap3A_62 : vector<1x16xf32> to vector<16xf32>
      %swap3A_64 = vector.shape_cast %broadcast_in_dim3A_59 : vector<16xf32> to vector<1x16xf32>
      tpu.vector_store %arg11[%swap3A_60, %swap3A_61], %swap3A_64 {strides = array<i32>} : memref<80x64xf32, #tpu.memory_space<vmem>>, vector<1x16xf32>,
      %broadcast_in_dim3A_65 = arith.constant 0.000000e+00 : f32
      %broadcast_in_dim3A_66 = vector.broadcast %broadcast_in_dim3A_65 : f32 to vector<16xf32>
      %swap3A_67 = arith.index_cast %add3A_52 : i32 to index
      %swap3A_68 = arith.constant 32 : index
      %swap3A_69 = tpu.vector_load %arg11[%swap3A_67, %swap3A_68] {strides = array<i32>} : memref<80x64xf32, #tpu.memory_space<vmem>>, vector<1x16xf32>,
      %swap3A_70 = vector.shape_cast %swap3A_69 : vector<1x16xf32> to vector<16xf32>
      %swap3A_71 = vector.shape_cast %broadcast_in_dim3A_66 : vector<16xf32> to vector<1x16xf32>
      tpu.vector_store %arg11[%swap3A_67, %swap3A_68], %swap3A_71 {strides = array<i32>} : memref<80x64xf32, #tpu.memory_space<vmem>>, vector<1x16xf32>,
      %broadcast_in_dim3A_72 = arith.constant 0.000000e+00 : f32
      %broadcast_in_dim3A_73 = vector.broadcast %broadcast_in_dim3A_72 : f32 to vector<16xf32>
      %swap3A_74 = arith.index_cast %add3A_52 : i32 to index
      %swap3A_75 = arith.constant 48 : index
      %swap3A_76 = tpu.vector_load %arg11[%swap3A_74, %swap3A_75] {strides = array<i32>} : memref<80x64xf32, #tpu.memory_space<vmem>>, vector<1x16xf32>,
      %swap3A_77 = vector.shape_cast %swap3A_76 : vector<1x16xf32> to vector<16xf32>
      %swap3A_78 = vector.shape_cast %broadcast_in_dim3A_73 : vector<16xf32> to vector<1x16xf32>
      tpu.vector_store %arg11[%swap3A_74, %swap3A_75], %swap3A_78 {strides = array<i32>} : memref<80x64xf32, #tpu.memory_space<vmem>>, vector<1x16xf32>,
    }
    %scan3A_4 = arith.constant 80 : i32
    %lt3A = arith.constant 13 : i32
    %lt3A_5 = arith.cmpi slt, %arg1, %lt3A : i32
    %jit3A = arith.constant 8 : i32
    %jit3A_6 = arith.constant 7 : i32
    %select_n3A = arith.select %lt3A_5, %jit3A, %jit3A_6 : i32
    %sub3A = arith.constant 0 : i32
    %sub3A_7 = arith.subi %select_n3A, %sub3A : i32
    %sub3A_8 = arith.constant 1 : i32
    %sub3A_9 = arith.constant 1 : i32
    %sub3A_10 = arith.subi %sub3A_8, %sub3A_9 : i32
    %add3A_11 = arith.addi %sub3A_7, %sub3A_10 : i32
    %div3A = arith.constant 1 : i32
    %div3A_12 = arith.divsi %add3A_11, %div3A : i32
    %while3A = arith.constant 1 : i32
    %while3A_13 = arith.constant 0 : i32
    %while3A_14 = arith.constant 0 : i32
    %while3A_15 = arith.subi %div3A_12, %while3A_14 : i32
    %while3A_16 = arith.addi %while3A_14, %while3A_15 : i32
    %while3A_17 = arith.constant 1 : i32
    %while3A_18 = arith.divsi %while3A_15, %while3A_17 : i32
    %while3A_19 = arith.muli %while3A_18, %while3A_17 : i32
    %while3A_20 = arith.addi %while3A_14, %while3A_19 : i32
    %while3A_21 = arith.constant 1 : i32
    scf.for %while3A_48 = %while3A_14 to %while3A_20 step %while3A_21  : i32 {
      %mul3A_49 = arith.muli %while3A_48, %while3A : i32
      %add3A_50 = arith.addi %while3A_13, %mul3A_49 : i32
      %mul3A_51 = arith.constant 16 : i32
      %mul3A_52 = arith.muli %add3A_50, %mul3A_51 : i32
      %add3A_53 = arith.addi %arg1, %mul3A_52 : i32
      %mul3A_54 = arith.constant 80 : i32
      %mul3A_55 = arith.muli %add3A_53, %mul3A_54 : i32
      "tpu.region"() ({
        %run_scoped3A = tpu.sem_alloc : memref<!tpu.dma_semaphore, #tpu.memory_space<semaphore_mem>>
        %dma_start3A = arith.constant 0 : i32
        %dma_start3A_56 = tpu.memref_slice %arg12[%mul3A_55, %dma_start3A] : memref<10000x64xf32, #tpu.memory_space<vmem_shared>> -> memref<80x64xf32, #tpu.memory_space<vmem_shared>>
        %dma_start3A_57 = arith.constant 0 : i32
        %dma_start3A_58 = tpu.memref_slice %arg12[%mul3A_55, %dma_start3A_57] : memref<10000x64xf32, #tpu.memory_space<vmem_shared>> -> memref<80x64xf32, #tpu.memory_space<vmem_shared>>
        tpu.enqueue_dma source(%arg11 : memref<80x64xf32, #tpu.memory_space<vmem>>) target(%dma_start3A_58 : memref<80x64xf32, #tpu.memory_space<vmem_shared>>) target_semaphore(%run_scoped3A : memref<!tpu.dma_semaphore, #tpu.memory_space<semaphore_mem>>)
        %dma_wait3A = arith.constant 0 : i32
        %dma_wait3A_59 = tpu.memref_slice %arg12[%mul3A_55, %dma_wait3A] : memref<10000x64xf32, #tpu.memory_space<vmem_shared>> -> memref<80x64xf32, #tpu.memory_space<vmem_shared>>
        %dma_wait3A_60 = arith.constant 0 : i32
        %dma_wait3A_61 = tpu.memref_slice %arg12[%mul3A_55, %dma_wait3A_60] : memref<10000x64xf32, #tpu.memory_space<vmem_shared>> -> memref<80x64xf32, #tpu.memory_space<vmem_shared>>
        tpu.wait_dma2 semaphore(%run_scoped3A : memref<!tpu.dma_semaphore, #tpu.memory_space<semaphore_mem>>) src(%arg11 : memref<80x64xf32, #tpu.memory_space<vmem>>) dst(%dma_wait3A_61 : memref<80x64xf32, #tpu.memory_space<vmem_shared>>)
        tpu.yield
      }) : () -> ()
    }
    %while3A_22 = arith.constant 1 : i32
    scf.for %while3A_48 = %while3A_20 to %while3A_16 step %while3A_22  : i32 {
      %mul3A_49 = arith.muli %while3A_48, %while3A : i32
      %add3A_50 = arith.addi %while3A_13, %mul3A_49 : i32
      %mul3A_51 = arith.constant 16 : i32
      %mul3A_52 = arith.muli %add3A_50, %mul3A_51 : i32
      %add3A_53 = arith.addi %arg1, %mul3A_52 : i32
      %mul3A_54 = arith.constant 80 : i32
      %mul3A_55 = arith.muli %add3A_53, %mul3A_54 : i32
      "tpu.region"() ({
        %run_scoped3A = tpu.sem_alloc : memref<!tpu.dma_semaphore, #tpu.memory_space<semaphore_mem>>
        %dma_start3A = arith.constant 0 : i32
        %dma_start3A_56 = tpu.memref_slice %arg12[%mul3A_55, %dma_start3A] : memref<10000x64xf32, #tpu.memory_space<vmem_shared>> -> memref<80x64xf32, #tpu.memory_space<vmem_shared>>
        %dma_start3A_57 = arith.constant 0 : i32
        %dma_start3A_58 = tpu.memref_slice %arg12[%mul3A_55, %dma_start3A_57] : memref<10000x64xf32, #tpu.memory_space<vmem_shared>> -> memref<80x64xf32, #tpu.memory_space<vmem_shared>>
        tpu.enqueue_dma source(%arg11 : memref<80x64xf32, #tpu.memory_space<vmem>>) target(%dma_start3A_58 : memref<80x64xf32, #tpu.memory_space<vmem_shared>>) target_semaphore(%run_scoped3A : memref<!tpu.dma_semaphore, #tpu.memory_space<semaphore_mem>>)
        %dma_wait3A = arith.constant 0 : i32
        %dma_wait3A_59 = tpu.memref_slice %arg12[%mul3A_55, %dma_wait3A] : memref<10000x64xf32, #tpu.memory_space<vmem_shared>> -> memref<80x64xf32, #tpu.memory_space<vmem_shared>>
        %dma_wait3A_60 = arith.constant 0 : i32
        %dma_wait3A_61 = tpu.memref_slice %arg12[%mul3A_55, %dma_wait3A_60] : memref<10000x64xf32, #tpu.memory_space<vmem_shared>> -> memref<80x64xf32, #tpu.memory_space<vmem_shared>>
        tpu.wait_dma2 semaphore(%run_scoped3A : memref<!tpu.dma_semaphore, #tpu.memory_space<semaphore_mem>>) src(%arg11 : memref<80x64xf32, #tpu.memory_space<vmem>>) dst(%dma_wait3A_61 : memref<80x64xf32, #tpu.memory_space<vmem_shared>>)
        tpu.yield
      }) : () -> ()
    }
    %barrier3A = arith.constant 0 : index
    tpu.barrier barrier_id(%barrier3A)
    %scan3A_23 = arith.constant 0 : i32
    %scan3A_24 = arith.constant 125 : i32
    %scan3A_25 = arith.addi %scan3A_23, %scan3A_24 : i32
    %scan3A_26 = arith.constant 1 : i32
    scf.for %scan3A_48 = %scan3A_23 to %scan3A_25 step %scan3A_26  : i32 {
      %mul3A_49 = arith.constant 1 : i32
      %mul3A_50 = arith.muli %scan3A_48, %mul3A_49 : i32
      %add3A_51 = arith.constant 0 : i32
      %add3A_52 = arith.addi %add3A_51, %mul3A_50 : i32
      %mul3A_53 = arith.constant 10000 : i32
      %mul3A_54 = arith.muli %add3A, %mul3A_53 : i32
      %mul3A_55 = arith.constant 80 : i32
      %mul3A_56 = arith.muli %add3A_52, %mul3A_55 : i32
      %add3A_57 = arith.addi %mul3A_54, %mul3A_56 : i32
      "tpu.region"() ({
        %run_scoped3A = tpu.sem_alloc : memref<!tpu.dma_semaphore, #tpu.memory_space<semaphore_mem>>
        %dma_start3A_67 = tpu.memref_slice %arg4[%add3A_57] : memref<320000xi32, #tpu.memory_space<hbm>> -> memref<80xi32, #tpu.memory_space<hbm>>
        %dma_start3A_68 = tpu.memref_slice %arg4[%add3A_57] : memref<320000xi32, #tpu.memory_space<hbm>> -> memref<80xi32, #tpu.memory_space<hbm>>
        tpu.enqueue_dma source(%dma_start3A_68 : memref<80xi32, #tpu.memory_space<hbm>>) target(%arg7 : memref<80xi32, #tpu.memory_space<vmem>>) target_semaphore(%run_scoped3A : memref<!tpu.dma_semaphore, #tpu.memory_space<semaphore_mem>>)
        %dma_wait3A_69 = tpu.memref_slice %arg4[%add3A_57] : memref<320000xi32, #tpu.memory_space<hbm>> -> memref<80xi32, #tpu.memory_space<hbm>>
        %dma_wait3A_70 = tpu.memref_slice %arg4[%add3A_57] : memref<320000xi32, #tpu.memory_space<hbm>> -> memref<80xi32, #tpu.memory_space<hbm>>
        tpu.wait_dma2 semaphore(%run_scoped3A : memref<!tpu.dma_semaphore, #tpu.memory_space<semaphore_mem>>) src(%dma_wait3A_70 : memref<80xi32, #tpu.memory_space<hbm>>) dst(%arg7 : memref<80xi32, #tpu.memory_space<vmem>>)
        tpu.yield
      }) : () -> ()
      "tpu.region"() ({
        %run_scoped3A = tpu.sem_alloc : memref<!tpu.dma_semaphore, #tpu.memory_space<semaphore_mem>>
        %dma_start3A_67 = tpu.memref_slice %arg5[%add3A_57] : memref<320000xi32, #tpu.memory_space<hbm>> -> memref<80xi32, #tpu.memory_space<hbm>>
        %dma_start3A_68 = tpu.memref_slice %arg5[%add3A_57] : memref<320000xi32, #tpu.memory_space<hbm>> -> memref<80xi32, #tpu.memory_space<hbm>>
        tpu.enqueue_dma source(%dma_start3A_68 : memref<80xi32, #tpu.memory_space<hbm>>) target(%arg8 : memref<80xi32, #tpu.memory_space<vmem>>) target_semaphore(%run_scoped3A : memref<!tpu.dma_semaphore, #tpu.memory_space<semaphore_mem>>)
        %dma_wait3A_69 = tpu.memref_slice %arg5[%add3A_57] : memref<320000xi32, #tpu.memory_space<hbm>> -> memref<80xi32, #tpu.memory_space<hbm>>
        %dma_wait3A_70 = tpu.memref_slice %arg5[%add3A_57] : memref<320000xi32, #tpu.memory_space<hbm>> -> memref<80xi32, #tpu.memory_space<hbm>>
        tpu.wait_dma2 semaphore(%run_scoped3A : memref<!tpu.dma_semaphore, #tpu.memory_space<semaphore_mem>>) src(%dma_wait3A_70 : memref<80xi32, #tpu.memory_space<hbm>>) dst(%arg8 : memref<80xi32, #tpu.memory_space<vmem>>)
        tpu.yield
      }) : () -> ()
      %dma_start3A = arith.constant 0 : i32
      %dma_start3A_58 = arith.constant 0 : i32
      %dma_start3A_59 = tpu.memref_slice %arg2[%dma_start3A, %dma_start3A_58] : memref<10000x128xf32, #tpu.memory_space<hbm>> -> memref<10000x128xf32, #tpu.memory_space<hbm>>
      tpu.enqueue_indirect_dma source(%dma_start3A_59 : memref<10000x128xf32, #tpu.memory_space<hbm>>) target(%arg9 : memref<80x128xf32, #tpu.memory_space<vmem>>) offsets(%arg7 : memref<80xi32, #tpu.memory_space<vmem>>) semaphore(%arg13 : memref<!tpu.dma_semaphore, #tpu.memory_space<semaphore_mem>>)
      "tpu.region"() ({
        %run_scoped3A = tpu.sem_alloc : memref<!tpu.dma_semaphore, #tpu.memory_space<semaphore_mem>>
        %dma_start3A_67 = arith.constant 0 : i32
        %dma_start3A_68 = tpu.memref_slice %arg3[%add3A_57, %dma_start3A_67] : memref<320000x64xf32, #tpu.memory_space<hbm>> -> memref<80x64xf32, #tpu.memory_space<hbm>>
        %dma_start3A_69 = arith.constant 0 : i32
        %dma_start3A_70 = tpu.memref_slice %arg3[%add3A_57, %dma_start3A_69] : memref<320000x64xf32, #tpu.memory_space<hbm>> -> memref<80x64xf32, #tpu.memory_space<hbm>>
        tpu.enqueue_dma source(%dma_start3A_70 : memref<80x64xf32, #tpu.memory_space<hbm>>) target(%arg10 : memref<80x64xf32, #tpu.memory_space<vmem>>) target_semaphore(%run_scoped3A : memref<!tpu.dma_semaphore, #tpu.memory_space<semaphore_mem>>)
        %dma_wait3A_71 = arith.constant 0 : i32
        %dma_wait3A_72 = tpu.memref_slice %arg3[%add3A_57, %dma_wait3A_71] : memref<320000x64xf32, #tpu.memory_space<hbm>> -> memref<80x64xf32, #tpu.memory_space<hbm>>
        %dma_wait3A_73 = arith.constant 0 : i32
        %dma_wait3A_74 = tpu.memref_slice %arg3[%add3A_57, %dma_wait3A_73] : memref<320000x64xf32, #tpu.memory_space<hbm>> -> memref<80x64xf32, #tpu.memory_space<hbm>>
        tpu.wait_dma2 semaphore(%run_scoped3A : memref<!tpu.dma_semaphore, #tpu.memory_space<semaphore_mem>>) src(%dma_wait3A_74 : memref<80x64xf32, #tpu.memory_space<hbm>>) dst(%arg10 : memref<80x64xf32, #tpu.memory_space<vmem>>)
        tpu.yield
      }) : () -> ()
      %dma_wait3A = arith.constant 0 : i32
      %dma_wait3A_60 = arith.constant 0 : i32
      %dma_wait3A_61 = tpu.memref_slice %arg2[%dma_wait3A, %dma_wait3A_60] : memref<10000x128xf32, #tpu.memory_space<hbm>> -> memref<10000x128xf32, #tpu.memory_space<hbm>>
      tpu.wait_indirect_dma semaphore(%arg13 : memref<!tpu.dma_semaphore, #tpu.memory_space<semaphore_mem>>) src(%dma_wait3A_61 : memref<10000x128xf32, #tpu.memory_space<hbm>>) dst(%arg9 : memref<80x128xf32, #tpu.memory_space<vmem>>)
      %scan3A_62 = arith.constant 0 : i32
      %scan3A_63 = arith.constant 80 : i32
      %scan3A_64 = arith.addi %scan3A_62, %scan3A_63 : i32
      %scan3A_65 = arith.constant 1 : i32
      scf.for %scan3A_67 = %scan3A_62 to %scan3A_64 step %scan3A_65  : i32 {
        %mul3A_68 = arith.constant 1 : i32
        %mul3A_69 = arith.muli %scan3A_67, %mul3A_68 : i32
        %add3A_70 = arith.constant 0 : i32
        %add3A_71 = arith.addi %add3A_70, %mul3A_69 : i32
        %get3A = arith.index_cast %add3A_71 : i32 to index
        %get3A_72 = arith.constant 0 : index
        %get3A_73 = tpu.vector_load %arg9[%get3A, %get3A_72] {strides = array<i32>} : memref<80x128xf32, #tpu.memory_space<vmem>>, vector<1x16xf32>,
        %get3A_74 = vector.shape_cast %get3A_73 : vector<1x16xf32> to vector<16xf32>
        %get3A_75 = arith.index_cast %add3A_71 : i32 to index
        %get3A_76 = arith.constant 0 : index
        %get3A_77 = tpu.vector_load %arg10[%get3A_75, %get3A_76] {strides = array<i32>} : memref<80x64xf32, #tpu.memory_space<vmem>>, vector<1x16xf32>,
        %get3A_78 = vector.shape_cast %get3A_77 : vector<1x16xf32> to vector<16xf32>
        %add3A_79 = arith.addf %get3A_74, %get3A_78 : vector<16xf32>
        %max3A = arith.constant 0.000000e+00 : f32
        %max3A_80 = vector.broadcast %max3A : f32 to vector<16xf32>
        %max3A_81 = arith.maximumf %add3A_79, %max3A_80 : vector<16xf32>
        %swap3A = arith.index_cast %add3A_71 : i32 to index
        %swap3A_82 = arith.constant 0 : index
        %swap3A_83 = tpu.vector_load %arg10[%swap3A, %swap3A_82] {strides = array<i32>} : memref<80x64xf32, #tpu.memory_space<vmem>>, vector<1x16xf32>,
        %swap3A_84 = vector.shape_cast %swap3A_83 : vector<1x16xf32> to vector<16xf32>
        %swap3A_85 = vector.shape_cast %max3A_81 : vector<16xf32> to vector<1x16xf32>
        tpu.vector_store %arg10[%swap3A, %swap3A_82], %swap3A_85 {strides = array<i32>} : memref<80x64xf32, #tpu.memory_space<vmem>>, vector<1x16xf32>,
        %get3A_86 = arith.index_cast %add3A_71 : i32 to index
        %get3A_87 = arith.constant 16 : index
        %get3A_88 = tpu.vector_load %arg9[%get3A_86, %get3A_87] {strides = array<i32>} : memref<80x128xf32, #tpu.memory_space<vmem>>, vector<1x16xf32>,
        %get3A_89 = vector.shape_cast %get3A_88 : vector<1x16xf32> to vector<16xf32>
        %get3A_90 = arith.index_cast %add3A_71 : i32 to index
        %get3A_91 = arith.constant 16 : index
        %get3A_92 = tpu.vector_load %arg10[%get3A_90, %get3A_91] {strides = array<i32>} : memref<80x64xf32, #tpu.memory_space<vmem>>, vector<1x16xf32>,
        %get3A_93 = vector.shape_cast %get3A_92 : vector<1x16xf32> to vector<16xf32>
        %add3A_94 = arith.addf %get3A_89, %get3A_93 : vector<16xf32>
        %max3A_95 = arith.constant 0.000000e+00 : f32
        %max3A_96 = vector.broadcast %max3A_95 : f32 to vector<16xf32>
        %max3A_97 = arith.maximumf %add3A_94, %max3A_96 : vector<16xf32>
        %swap3A_98 = arith.index_cast %add3A_71 : i32 to index
        %swap3A_99 = arith.constant 16 : index
        %swap3A_100 = tpu.vector_load %arg10[%swap3A_98, %swap3A_99] {strides = array<i32>} : memref<80x64xf32, #tpu.memory_space<vmem>>, vector<1x16xf32>,
        %swap3A_101 = vector.shape_cast %swap3A_100 : vector<1x16xf32> to vector<16xf32>
        %swap3A_102 = vector.shape_cast %max3A_97 : vector<16xf32> to vector<1x16xf32>
        tpu.vector_store %arg10[%swap3A_98, %swap3A_99], %swap3A_102 {strides = array<i32>} : memref<80x64xf32, #tpu.memory_space<vmem>>, vector<1x16xf32>,
        %get3A_103 = arith.index_cast %add3A_71 : i32 to index
        %get3A_104 = arith.constant 32 : index
        %get3A_105 = tpu.vector_load %arg9[%get3A_103, %get3A_104] {strides = array<i32>} : memref<80x128xf32, #tpu.memory_space<vmem>>, vector<1x16xf32>,
        %get3A_106 = vector.shape_cast %get3A_105 : vector<1x16xf32> to vector<16xf32>
        %get3A_107 = arith.index_cast %add3A_71 : i32 to index
        %get3A_108 = arith.constant 32 : index
        %get3A_109 = tpu.vector_load %arg10[%get3A_107, %get3A_108] {strides = array<i32>} : memref<80x64xf32, #tpu.memory_space<vmem>>, vector<1x16xf32>,
        %get3A_110 = vector.shape_cast %get3A_109 : vector<1x16xf32> to vector<16xf32>
        %add3A_111 = arith.addf %get3A_106, %get3A_110 : vector<16xf32>
        %max3A_112 = arith.constant 0.000000e+00 : f32
        %max3A_113 = vector.broadcast %max3A_112 : f32 to vector<16xf32>
        %max3A_114 = arith.maximumf %add3A_111, %max3A_113 : vector<16xf32>
        %swap3A_115 = arith.index_cast %add3A_71 : i32 to index
        %swap3A_116 = arith.constant 32 : index
        %swap3A_117 = tpu.vector_load %arg10[%swap3A_115, %swap3A_116] {strides = array<i32>} : memref<80x64xf32, #tpu.memory_space<vmem>>, vector<1x16xf32>,
        %swap3A_118 = vector.shape_cast %swap3A_117 : vector<1x16xf32> to vector<16xf32>
        %swap3A_119 = vector.shape_cast %max3A_114 : vector<16xf32> to vector<1x16xf32>
        tpu.vector_store %arg10[%swap3A_115, %swap3A_116], %swap3A_119 {strides = array<i32>} : memref<80x64xf32, #tpu.memory_space<vmem>>, vector<1x16xf32>,
        %get3A_120 = arith.index_cast %add3A_71 : i32 to index
        %get3A_121 = arith.constant 48 : index
        %get3A_122 = tpu.vector_load %arg9[%get3A_120, %get3A_121] {strides = array<i32>} : memref<80x128xf32, #tpu.memory_space<vmem>>, vector<1x16xf32>,
        %get3A_123 = vector.shape_cast %get3A_122 : vector<1x16xf32> to vector<16xf32>
        %get3A_124 = arith.index_cast %add3A_71 : i32 to index
        %get3A_125 = arith.constant 48 : index
        %get3A_126 = tpu.vector_load %arg10[%get3A_124, %get3A_125] {strides = array<i32>} : memref<80x64xf32, #tpu.memory_space<vmem>>, vector<1x16xf32>,
        %get3A_127 = vector.shape_cast %get3A_126 : vector<1x16xf32> to vector<16xf32>
        %add3A_128 = arith.addf %get3A_123, %get3A_127 : vector<16xf32>
        %max3A_129 = arith.constant 0.000000e+00 : f32
        %max3A_130 = vector.broadcast %max3A_129 : f32 to vector<16xf32>
        %max3A_131 = arith.maximumf %add3A_128, %max3A_130 : vector<16xf32>
        %swap3A_132 = arith.index_cast %add3A_71 : i32 to index
        %swap3A_133 = arith.constant 48 : index
        %swap3A_134 = tpu.vector_load %arg10[%swap3A_132, %swap3A_133] {strides = array<i32>} : memref<80x64xf32, #tpu.memory_space<vmem>>, vector<1x16xf32>,
        %swap3A_135 = vector.shape_cast %swap3A_134 : vector<1x16xf32> to vector<16xf32>
        %swap3A_136 = vector.shape_cast %max3A_131 : vector<16xf32> to vector<1x16xf32>
        tpu.vector_store %arg10[%swap3A_132, %swap3A_133], %swap3A_136 {strides = array<i32>} : memref<80x64xf32, #tpu.memory_space<vmem>>, vector<1x16xf32>,
      }
      %scan3A_66 = arith.constant 80 : i32
      "tpu.region"() ({
        %run_scoped3A = tpu.sem_alloc : memref<!tpu.dma_semaphore, #tpu.memory_space<semaphore_mem>>
        %dma_start3A_67 = arith.constant 0 : i32
        %dma_start3A_68 = arith.constant 0 : i32
        %dma_start3A_69 = tpu.memref_slice %arg12[%dma_start3A_67, %dma_start3A_68] : memref<10000x64xf32, #tpu.memory_space<vmem_shared>> -> memref<10000x64xf32, #tpu.memory_space<vmem_shared>>
        tpu.enqueue_indirect_dma source(%arg10 : memref<80x64xf32, #tpu.memory_space<vmem>>) target(%dma_start3A_69 : memref<10000x64xf32, #tpu.memory_space<vmem_shared>>) offsets(%arg8 : memref<80xi32, #tpu.memory_space<vmem>>) semaphore(%run_scoped3A : memref<!tpu.dma_semaphore, #tpu.memory_space<semaphore_mem>>) {add = true}
        %dma_wait3A_70 = arith.constant 0 : i32
        %dma_wait3A_71 = arith.constant 0 : i32
        %dma_wait3A_72 = tpu.memref_slice %arg12[%dma_wait3A_70, %dma_wait3A_71] : memref<10000x64xf32, #tpu.memory_space<vmem_shared>> -> memref<10000x64xf32, #tpu.memory_space<vmem_shared>>
        tpu.wait_indirect_dma semaphore(%run_scoped3A : memref<!tpu.dma_semaphore, #tpu.memory_space<semaphore_mem>>) src(%arg10 : memref<80x64xf32, #tpu.memory_space<vmem>>) dst(%dma_wait3A_72 : memref<10000x64xf32, #tpu.memory_space<vmem_shared>>)
        tpu.yield
      }) : () -> ()
    }
    %scan3A_27 = arith.constant 125 : i32
    %barrier3A_28 = arith.constant 0 : index
    tpu.barrier barrier_id(%barrier3A_28)
    %sub3A_29 = arith.constant 0 : i32
    %sub3A_30 = arith.subi %select_n3A, %sub3A_29 : i32
    %sub3A_31 = arith.constant 1 : i32
    %sub3A_32 = arith.constant 1 : i32
    %sub3A_33 = arith.subi %sub3A_31, %sub3A_32 : i32
    %add3A_34 = arith.addi %sub3A_30, %sub3A_33 : i32
    %div3A_35 = arith.constant 1 : i32
    %div3A_36 = arith.divsi %add3A_34, %div3A_35 : i32
    %while3A_37 = arith.constant 1 : i32
    %while3A_38 = arith.constant 0 : i32
    %while3A_39 = arith.constant 0 : i32
    %while3A_40 = arith.subi %div3A_36, %while3A_39 : i32
    %while3A_41 = arith.addi %while3A_39, %while3A_40 : i32
    %while3A_42 = arith.constant 1 : i32
    %while3A_43 = arith.divsi %while3A_40, %while3A_42 : i32
    %while3A_44 = arith.muli %while3A_43, %while3A_42 : i32
    %while3A_45 = arith.addi %while3A_39, %while3A_44 : i32
    %while3A_46 = arith.constant 1 : i32
    scf.for %while3A_48 = %while3A_39 to %while3A_45 step %while3A_46  : i32 {
      %mul3A_49 = arith.muli %while3A_48, %while3A_37 : i32
      %add3A_50 = arith.addi %while3A_38, %mul3A_49 : i32
      %mul3A_51 = arith.constant 16 : i32
      %mul3A_52 = arith.muli %add3A_50, %mul3A_51 : i32
      %add3A_53 = arith.addi %arg1, %mul3A_52 : i32
      %mul3A_54 = arith.constant 80 : i32
      %mul3A_55 = arith.muli %add3A_53, %mul3A_54 : i32
      "tpu.region"() ({
        %run_scoped3A = tpu.sem_alloc : memref<!tpu.dma_semaphore, #tpu.memory_space<semaphore_mem>>
        %dma_start3A = arith.constant 0 : i32
        %dma_start3A_56 = arith.constant 0 : i32
        %dma_start3A_57 = tpu.memref_slice %arg6[%arg0, %dma_start3A, %dma_start3A_56] : memref<2x10000x64xf32, #tpu.memory_space<hbm>> -> memref<1x10000x64xf32, #tpu.memory_space<hbm>>
        %dma_start3A_58 = tpu.memref_squeeze %dma_start3A_57 : memref<1x10000x64xf32, #tpu.memory_space<hbm>> -> memref<10000x64xf32, #tpu.memory_space<hbm>>
        %dma_start3A_59 = arith.constant 0 : i32
        %dma_start3A_60 = tpu.memref_slice %dma_start3A_58[%mul3A_55, %dma_start3A_59] : memref<10000x64xf32, #tpu.memory_space<hbm>> -> memref<80x64xf32, #tpu.memory_space<hbm>>
        %dma_start3A_61 = arith.constant 0 : i32
        %dma_start3A_62 = tpu.memref_slice %arg12[%mul3A_55, %dma_start3A_61] : memref<10000x64xf32, #tpu.memory_space<vmem_shared>> -> memref<80x64xf32, #tpu.memory_space<vmem_shared>>
        tpu.enqueue_dma source(%dma_start3A_62 : memref<80x64xf32, #tpu.memory_space<vmem_shared>>) target(%dma_start3A_60 : memref<80x64xf32, #tpu.memory_space<hbm>>) target_semaphore(%run_scoped3A : memref<!tpu.dma_semaphore, #tpu.memory_space<semaphore_mem>>)
        %dma_wait3A = arith.constant 0 : i32
        %dma_wait3A_63 = arith.constant 0 : i32
        %dma_wait3A_64 = tpu.memref_slice %arg6[%arg0, %dma_wait3A, %dma_wait3A_63] : memref<2x10000x64xf32, #tpu.memory_space<hbm>> -> memref<1x10000x64xf32, #tpu.memory_space<hbm>>
        %dma_wait3A_65 = tpu.memref_squeeze %dma_wait3A_64 : memref<1x10000x64xf32, #tpu.memory_space<hbm>> -> memref<10000x64xf32, #tpu.memory_space<hbm>>
        %dma_wait3A_66 = arith.constant 0 : i32
        %dma_wait3A_67 = tpu.memref_slice %dma_wait3A_65[%mul3A_55, %dma_wait3A_66] : memref<10000x64xf32, #tpu.memory_space<hbm>> -> memref<80x64xf32, #tpu.memory_space<hbm>>
        %dma_wait3A_68 = arith.constant 0 : i32
        %dma_wait3A_69 = tpu.memref_slice %arg12[%mul3A_55, %dma_wait3A_68] : memref<10000x64xf32, #tpu.memory_space<vmem_shared>> -> memref<80x64xf32, #tpu.memory_space<vmem_shared>>
        tpu.wait_dma2 semaphore(%run_scoped3A : memref<!tpu.dma_semaphore, #tpu.memory_space<semaphore_mem>>) src(%dma_wait3A_69 : memref<80x64xf32, #tpu.memory_space<vmem_shared>>) dst(%dma_wait3A_67 : memref<80x64xf32, #tpu.memory_space<hbm>>)
        tpu.yield
      }) : () -> ()
    }
    %while3A_47 = arith.constant 1 : i32
    scf.for %while3A_48 = %while3A_45 to %while3A_41 step %while3A_47  : i32 {
      %mul3A_49 = arith.muli %while3A_48, %while3A_37 : i32
      %add3A_50 = arith.addi %while3A_38, %mul3A_49 : i32
      %mul3A_51 = arith.constant 16 : i32
      %mul3A_52 = arith.muli %add3A_50, %mul3A_51 : i32
      %add3A_53 = arith.addi %arg1, %mul3A_52 : i32
      %mul3A_54 = arith.constant 80 : i32
      %mul3A_55 = arith.muli %add3A_53, %mul3A_54 : i32
      "tpu.region"() ({
        %run_scoped3A = tpu.sem_alloc : memref<!tpu.dma_semaphore, #tpu.memory_space<semaphore_mem>>
        %dma_start3A = arith.constant 0 : i32
        %dma_start3A_56 = arith.constant 0 : i32
        %dma_start3A_57 = tpu.memref_slice %arg6[%arg0, %dma_start3A, %dma_start3A_56] : memref<2x10000x64xf32, #tpu.memory_space<hbm>> -> memref<1x10000x64xf32, #tpu.memory_space<hbm>>
        %dma_start3A_58 = tpu.memref_squeeze %dma_start3A_57 : memref<1x10000x64xf32, #tpu.memory_space<hbm>> -> memref<10000x64xf32, #tpu.memory_space<hbm>>
        %dma_start3A_59 = arith.constant 0 : i32
        %dma_start3A_60 = tpu.memref_slice %dma_start3A_58[%mul3A_55, %dma_start3A_59] : memref<10000x64xf32, #tpu.memory_space<hbm>> -> memref<80x64xf32, #tpu.memory_space<hbm>>
        %dma_start3A_61 = arith.constant 0 : i32
        %dma_start3A_62 = tpu.memref_slice %arg12[%mul3A_55, %dma_start3A_61] : memref<10000x64xf32, #tpu.memory_space<vmem_shared>> -> memref<80x64xf32, #tpu.memory_space<vmem_shared>>
        tpu.enqueue_dma source(%dma_start3A_62 : memref<80x64xf32, #tpu.memory_space<vmem_shared>>) target(%dma_start3A_60 : memref<80x64xf32, #tpu.memory_space<hbm>>) target_semaphore(%run_scoped3A : memref<!tpu.dma_semaphore, #tpu.memory_space<semaphore_mem>>)
        %dma_wait3A = arith.constant 0 : i32
        %dma_wait3A_63 = arith.constant 0 : i32
        %dma_wait3A_64 = tpu.memref_slice %arg6[%arg0, %dma_wait3A, %dma_wait3A_63] : memref<2x10000x64xf32, #tpu.memory_space<hbm>> -> memref<1x10000x64xf32, #tpu.memory_space<hbm>>
        %dma_wait3A_65 = tpu.memref_squeeze %dma_wait3A_64 : memref<1x10000x64xf32, #tpu.memory_space<hbm>> -> memref<10000x64xf32, #tpu.memory_space<hbm>>
        %dma_wait3A_66 = arith.constant 0 : i32
        %dma_wait3A_67 = tpu.memref_slice %dma_wait3A_65[%mul3A_55, %dma_wait3A_66] : memref<10000x64xf32, #tpu.memory_space<hbm>> -> memref<80x64xf32, #tpu.memory_space<hbm>>
        %dma_wait3A_68 = arith.constant 0 : i32
        %dma_wait3A_69 = tpu.memref_slice %arg12[%mul3A_55, %dma_wait3A_68] : memref<10000x64xf32, #tpu.memory_space<vmem_shared>> -> memref<80x64xf32, #tpu.memory_space<vmem_shared>>
        tpu.wait_dma2 semaphore(%run_scoped3A : memref<!tpu.dma_semaphore, #tpu.memory_space<semaphore_mem>>) src(%dma_wait3A_69 : memref<80x64xf32, #tpu.memory_space<vmem_shared>>) dst(%dma_wait3A_67 : memref<80x64xf32, #tpu.memory_space<hbm>>)
        tpu.yield
      }) : () -> ()
    }
    return
  }
}

#map = affine_map<(d0, d1) -> (0, 0)>
#map1 = affine_map<(d0, d1) -> (0)>
#map2 = affine_map<(d0, d1) -> (0, 0, 0)>
module attributes {stable_mosaic.version = 14 : i64} {
  func.func @ker(%arg0: i32, %arg1: i32, %arg2: memref<10000x128xf32, #tpu.memory_space<hbm>>, %arg3: memref<320000x64xf32, #tpu.memory_space<hbm>>, %arg4: memref<320000xi32, #tpu.memory_space<hbm>>, %arg5: memref<320000xi32, #tpu.memory_space<hbm>>, %arg6: memref<2x10000x64xf32, #tpu.memory_space<hbm>>, %arg7: memref<80xi32, #tpu.memory_space<vmem>>, %arg8: memref<80xi32, #tpu.memory_space<vmem>>, %arg9: memref<80x128xf32, #tpu.memory_space<vmem>>, %arg10: memref<80x64xf32, #tpu.memory_space<vmem>>, %arg11: memref<80x64xf32, #tpu.memory_space<vmem>>, %arg12: memref<10000x64xf32, #tpu.memory_space<vmem_shared>>, %arg13: memref<!tpu.dma_semaphore, #tpu.memory_space<semaphore_mem>>) attributes {dimension_semantics = [#tpu.dimension_semantics<core_parallel>, #tpu.dimension_semantics<subcore_parallel>], iteration_bounds = array<i64: 2, 16>, scalar_prefetch = 0 : i64, scratch_operands = 7 : i64, tpu.core_type = #tpu.core_type<sc_vector_subcore>, window_params = [{transform_indices = #map}, {transform_indices = #map}, {transform_indices = #map1}, {transform_indices = #map1}, {transform_indices = #map2}]} {
    %mul3A = arith.constant 16 : i32
    %mul3A_0 = arith.muli %arg0, %mul3A : i32
    %add3A = arith.addi %mul3A_0, %arg1 : i32
    %scan3A = arith.constant 0 : i32
    %scan3A_1 = arith.constant 80 : i32
    %scan3A_2 = arith.addi %scan3A, %scan3A_1 : i32
    %scan3A_3 = arith.constant 1 : i32
    scf.for %scan3A_48 = %scan3A to %scan3A_2 step %scan3A_3  : i32 {
      %mul3A_49 = arith.constant 1 : i32
      %mul3A_50 = arith.muli %scan3A_48, %mul3A_49 : i32
      %add3A_51 = arith.constant 0 : i32
      %add3A_52 = arith.addi %add3A_51, %mul3A_50 : i32
      %broadcast_in_dim3A = arith.constant 0.000000e+00 : f32
      %broadcast_in_dim3A_53 = vector.broadcast %broadcast_in_dim3A : f32 to vector<16xf32>
      %swap3A = arith.index_cast %add3A_52 : i32 to index
      %swap3A_54 = arith.constant 0 : index
      %swap3A_55 = tpu.vector_load %arg11[%swap3A, %swap3A_54] {strides = array<i32>} : memref<80x64xf32, #tpu.memory_space<vmem>>, vector<1x16xf32>,
      %swap3A_56 = vector.shape_cast %swap3A_55 : vector<1x16xf32> to vector<16xf32>
      %swap3A_57 = vector.shape_cast %broadcast_in_dim3A_53 : vector<16xf32> to vector<1x16xf32>
      tpu.vector_store %arg11[%swap3A, %swap3A_54], %swap3A_57 {strides = array<i32>} : memref<80x64xf32, #tpu.memory_space<vmem>>, vector<1x16xf32>,
      %broadcast_in_dim3A_58 = arith.constant 0.000000e+00 : f32
      %broadcast_in_dim3A_59 = vector.broadcast %broadcast_in_dim3A_58 : f32 to vector<16xf32>
      %swap3A_60 = arith.index_cast %add3A_52 : i32 to index
      %swap3A_61 = arith.constant 16 : index
      %swap3A_62 = tpu.vector_load %arg11[%swap3A_60, %swap3A_61] {strides = array<i32>} : memref<80x64xf32, #tpu.memory_space<vmem>>, vector<1x16xf32>,
      %swap3A_63 = vector.shape_cast %swap3A_62 : vector<1x16xf32> to vector<16xf32>
      %swap3A_64 = vector.shape_cast %broadcast_in_dim3A_59 : vector<16xf32> to vector<1x16xf32>
      tpu.vector_store %arg11[%swap3A_60, %swap3A_61], %swap3A_64 {strides = array<i32>} : memref<80x64xf32, #tpu.memory_space<vmem>>, vector<1x16xf32>,
      %broadcast_in_dim3A_65 = arith.constant 0.000000e+00 : f32
      %broadcast_in_dim3A_66 = vector.broadcast %broadcast_in_dim3A_65 : f32 to vector<16xf32>
      %swap3A_67 = arith.index_cast %add3A_52 : i32 to index
      %swap3A_68 = arith.constant 32 : index
      %swap3A_69 = tpu.vector_load %arg11[%swap3A_67, %swap3A_68] {strides = array<i32>} : memref<80x64xf32, #tpu.memory_space<vmem>>, vector<1x16xf32>,
      %swap3A_70 = vector.shape_cast %swap3A_69 : vector<1x16xf32> to vector<16xf32>
      %swap3A_71 = vector.shape_cast %broadcast_in_dim3A_66 : vector<16xf32> to vector<1x16xf32>
      tpu.vector_store %arg11[%swap3A_67, %swap3A_68], %swap3A_71 {strides = array<i32>} : memref<80x64xf32, #tpu.memory_space<vmem>>, vector<1x16xf32>,
      %broadcast_in_dim3A_72 = arith.constant 0.000000e+00 : f32
      %broadcast_in_dim3A_73 = vector.broadcast %broadcast_in_dim3A_72 : f32 to vector<16xf32>
      %swap3A_74 = arith.index_cast %add3A_52 : i32 to index
      %swap3A_75 = arith.constant 48 : index
      %swap3A_76 = tpu.vector_load %arg11[%swap3A_74, %swap3A_75] {strides = array<i32>} : memref<80x64xf32, #tpu.memory_space<vmem>>, vector<1x16xf32>,
      %swap3A_77 = vector.shape_cast %swap3A_76 : vector<1x16xf32> to vector<16xf32>
      %swap3A_78 = vector.shape_cast %broadcast_in_dim3A_73 : vector<16xf32> to vector<1x16xf32>
      tpu.vector_store %arg11[%swap3A_74, %swap3A_75], %swap3A_78 {strides = array<i32>} : memref<80x64xf32, #tpu.memory_space<vmem>>, vector<1x16xf32>,
    }
    %scan3A_4 = arith.constant 80 : i32
    %lt3A = arith.constant 13 : i32
    %lt3A_5 = arith.cmpi slt, %arg1, %lt3A : i32
    %jit3A = arith.constant 8 : i32
    %jit3A_6 = arith.constant 7 : i32
    %select_n3A = arith.select %lt3A_5, %jit3A, %jit3A_6 : i32
    %sub3A = arith.constant 0 : i32
    %sub3A_7 = arith.subi %select_n3A, %sub3A : i32
    %sub3A_8 = arith.constant 1 : i32
    %sub3A_9 = arith.constant 1 : i32
    %sub3A_10 = arith.subi %sub3A_8, %sub3A_9 : i32
    %add3A_11 = arith.addi %sub3A_7, %sub3A_10 : i32
    %div3A = arith.constant 1 : i32
    %div3A_12 = arith.divsi %add3A_11, %div3A : i32
    %while3A = arith.constant 1 : i32
    %while3A_13 = arith.constant 0 : i32
    %while3A_14 = arith.constant 0 : i32
    %while3A_15 = arith.subi %div3A_12, %while3A_14 : i32
    %while3A_16 = arith.addi %while3A_14, %while3A_15 : i32
    %while3A_17 = arith.constant 1 : i32
    %while3A_18 = arith.divsi %while3A_15, %while3A_17 : i32
    %while3A_19 = arith.muli %while3A_18, %while3A_17 : i32
    %while3A_20 = arith.addi %while3A_14, %while3A_19 : i32
    %while3A_21 = arith.constant 1 : i32
    scf.for %while3A_48 = %while3A_14 to %while3A_20 step %while3A_21  : i32 {
      %mul3A_49 = arith.muli %while3A_48, %while3A : i32
      %add3A_50 = arith.addi %while3A_13, %mul3A_49 : i32
      %mul3A_51 = arith.constant 16 : i32
      %mul3A_52 = arith.muli %add3A_50, %mul3A_51 : i32
      %add3A_53 = arith.addi %arg1, %mul3A_52 : i32
      %mul3A_54 = arith.constant 80 : i32
      %mul3A_55 = arith.muli %add3A_53, %mul3A_54 : i32
      "tpu.region"() ({
        %run_scoped3A = tpu.sem_alloc : memref<!tpu.dma_semaphore, #tpu.memory_space<semaphore_mem>>
        %dma_start3A = arith.constant 0 : i32
        %dma_start3A_56 = tpu.memref_slice %arg12[%mul3A_55, %dma_start3A] : memref<10000x64xf32, #tpu.memory_space<vmem_shared>> -> memref<80x64xf32, #tpu.memory_space<vmem_shared>>
        %dma_start3A_57 = arith.constant 0 : i32
        %dma_start3A_58 = tpu.memref_slice %arg12[%mul3A_55, %dma_start3A_57] : memref<10000x64xf32, #tpu.memory_space<vmem_shared>> -> memref<80x64xf32, #tpu.memory_space<vmem_shared>>
        tpu.enqueue_dma source(%arg11 : memref<80x64xf32, #tpu.memory_space<vmem>>) target(%dma_start3A_58 : memref<80x64xf32, #tpu.memory_space<vmem_shared>>) target_semaphore(%run_scoped3A : memref<!tpu.dma_semaphore, #tpu.memory_space<semaphore_mem>>)
        %dma_wait3A = arith.constant 0 : i32
        %dma_wait3A_59 = tpu.memref_slice %arg12[%mul3A_55, %dma_wait3A] : memref<10000x64xf32, #tpu.memory_space<vmem_shared>> -> memref<80x64xf32, #tpu.memory_space<vmem_shared>>
        %dma_wait3A_60 = arith.constant 0 : i32
        %dma_wait3A_61 = tpu.memref_slice %arg12[%mul3A_55, %dma_wait3A_60] : memref<10000x64xf32, #tpu.memory_space<vmem_shared>> -> memref<80x64xf32, #tpu.memory_space<vmem_shared>>
        tpu.wait_dma2 semaphore(%run_scoped3A : memref<!tpu.dma_semaphore, #tpu.memory_space<semaphore_mem>>) src(%arg11 : memref<80x64xf32, #tpu.memory_space<vmem>>) dst(%dma_wait3A_61 : memref<80x64xf32, #tpu.memory_space<vmem_shared>>)
        tpu.yield
      }) : () -> ()
    }
    %while3A_22 = arith.constant 1 : i32
    scf.for %while3A_48 = %while3A_20 to %while3A_16 step %while3A_22  : i32 {
      %mul3A_49 = arith.muli %while3A_48, %while3A : i32
      %add3A_50 = arith.addi %while3A_13, %mul3A_49 : i32
      %mul3A_51 = arith.constant 16 : i32
      %mul3A_52 = arith.muli %add3A_50, %mul3A_51 : i32
      %add3A_53 = arith.addi %arg1, %mul3A_52 : i32
      %mul3A_54 = arith.constant 80 : i32
      %mul3A_55 = arith.muli %add3A_53, %mul3A_54 : i32
      "tpu.region"() ({
        %run_scoped3A = tpu.sem_alloc : memref<!tpu.dma_semaphore, #tpu.memory_space<semaphore_mem>>
        %dma_start3A = arith.constant 0 : i32
        %dma_start3A_56 = tpu.memref_slice %arg12[%mul3A_55, %dma_start3A] : memref<10000x64xf32, #tpu.memory_space<vmem_shared>> -> memref<80x64xf32, #tpu.memory_space<vmem_shared>>
        %dma_start3A_57 = arith.constant 0 : i32
        %dma_start3A_58 = tpu.memref_slice %arg12[%mul3A_55, %dma_start3A_57] : memref<10000x64xf32, #tpu.memory_space<vmem_shared>> -> memref<80x64xf32, #tpu.memory_space<vmem_shared>>
        tpu.enqueue_dma source(%arg11 : memref<80x64xf32, #tpu.memory_space<vmem>>) target(%dma_start3A_58 : memref<80x64xf32, #tpu.memory_space<vmem_shared>>) target_semaphore(%run_scoped3A : memref<!tpu.dma_semaphore, #tpu.memory_space<semaphore_mem>>)
        %dma_wait3A = arith.constant 0 : i32
        %dma_wait3A_59 = tpu.memref_slice %arg12[%mul3A_55, %dma_wait3A] : memref<10000x64xf32, #tpu.memory_space<vmem_shared>> -> memref<80x64xf32, #tpu.memory_space<vmem_shared>>
        %dma_wait3A_60 = arith.constant 0 : i32
        %dma_wait3A_61 = tpu.memref_slice %arg12[%mul3A_55, %dma_wait3A_60] : memref<10000x64xf32, #tpu.memory_space<vmem_shared>> -> memref<80x64xf32, #tpu.memory_space<vmem_shared>>
        tpu.wait_dma2 semaphore(%run_scoped3A : memref<!tpu.dma_semaphore, #tpu.memory_space<semaphore_mem>>) src(%arg11 : memref<80x64xf32, #tpu.memory_space<vmem>>) dst(%dma_wait3A_61 : memref<80x64xf32, #tpu.memory_space<vmem_shared>>)
        tpu.yield
      }) : () -> ()
    }
    %barrier3A = arith.constant 0 : index
    tpu.barrier barrier_id(%barrier3A)
    %scan3A_23 = arith.constant 0 : i32
    %scan3A_24 = arith.constant 125 : i32
    %scan3A_25 = arith.addi %scan3A_23, %scan3A_24 : i32
    %scan3A_26 = arith.constant 1 : i32
    scf.for %scan3A_48 = %scan3A_23 to %scan3A_25 step %scan3A_26  : i32 {
      %mul3A_49 = arith.constant 1 : i32
      %mul3A_50 = arith.muli %scan3A_48, %mul3A_49 : i32
      %add3A_51 = arith.constant 0 : i32
      %add3A_52 = arith.addi %add3A_51, %mul3A_50 : i32
      %mul3A_53 = arith.constant 10000 : i32
      %mul3A_54 = arith.muli %add3A, %mul3A_53 : i32
      %mul3A_55 = arith.constant 80 : i32
      %mul3A_56 = arith.muli %add3A_52, %mul3A_55 : i32
      %add3A_57 = arith.addi %mul3A_54, %mul3A_56 : i32
      "tpu.region"() ({
        %run_scoped3A = tpu.sem_alloc : memref<!tpu.dma_semaphore, #tpu.memory_space<semaphore_mem>>
        %dma_start3A_67 = tpu.memref_slice %arg4[%add3A_57] : memref<320000xi32, #tpu.memory_space<hbm>> -> memref<80xi32, #tpu.memory_space<hbm>>
        %dma_start3A_68 = tpu.memref_slice %arg4[%add3A_57] : memref<320000xi32, #tpu.memory_space<hbm>> -> memref<80xi32, #tpu.memory_space<hbm>>
        tpu.enqueue_dma source(%dma_start3A_68 : memref<80xi32, #tpu.memory_space<hbm>>) target(%arg7 : memref<80xi32, #tpu.memory_space<vmem>>) target_semaphore(%run_scoped3A : memref<!tpu.dma_semaphore, #tpu.memory_space<semaphore_mem>>)
        %dma_wait3A_69 = tpu.memref_slice %arg4[%add3A_57] : memref<320000xi32, #tpu.memory_space<hbm>> -> memref<80xi32, #tpu.memory_space<hbm>>
        %dma_wait3A_70 = tpu.memref_slice %arg4[%add3A_57] : memref<320000xi32, #tpu.memory_space<hbm>> -> memref<80xi32, #tpu.memory_space<hbm>>
        tpu.wait_dma2 semaphore(%run_scoped3A : memref<!tpu.dma_semaphore, #tpu.memory_space<semaphore_mem>>) src(%dma_wait3A_70 : memref<80xi32, #tpu.memory_space<hbm>>) dst(%arg7 : memref<80xi32, #tpu.memory_space<vmem>>)
        tpu.yield
      }) : () -> ()
      "tpu.region"() ({
        %run_scoped3A = tpu.sem_alloc : memref<!tpu.dma_semaphore, #tpu.memory_space<semaphore_mem>>
        %dma_start3A_67 = tpu.memref_slice %arg5[%add3A_57] : memref<320000xi32, #tpu.memory_space<hbm>> -> memref<80xi32, #tpu.memory_space<hbm>>
        %dma_start3A_68 = tpu.memref_slice %arg5[%add3A_57] : memref<320000xi32, #tpu.memory_space<hbm>> -> memref<80xi32, #tpu.memory_space<hbm>>
        tpu.enqueue_dma source(%dma_start3A_68 : memref<80xi32, #tpu.memory_space<hbm>>) target(%arg8 : memref<80xi32, #tpu.memory_space<vmem>>) target_semaphore(%run_scoped3A : memref<!tpu.dma_semaphore, #tpu.memory_space<semaphore_mem>>)
        %dma_wait3A_69 = tpu.memref_slice %arg5[%add3A_57] : memref<320000xi32, #tpu.memory_space<hbm>> -> memref<80xi32, #tpu.memory_space<hbm>>
        %dma_wait3A_70 = tpu.memref_slice %arg5[%add3A_57] : memref<320000xi32, #tpu.memory_space<hbm>> -> memref<80xi32, #tpu.memory_space<hbm>>
        tpu.wait_dma2 semaphore(%run_scoped3A : memref<!tpu.dma_semaphore, #tpu.memory_space<semaphore_mem>>) src(%dma_wait3A_70 : memref<80xi32, #tpu.memory_space<hbm>>) dst(%arg8 : memref<80xi32, #tpu.memory_space<vmem>>)
        tpu.yield
      }) : () -> ()
      %dma_start3A = arith.constant 0 : i32
      %dma_start3A_58 = arith.constant 0 : i32
      %dma_start3A_59 = tpu.memref_slice %arg2[%dma_start3A, %dma_start3A_58] : memref<10000x128xf32, #tpu.memory_space<hbm>> -> memref<10000x128xf32, #tpu.memory_space<hbm>>
      tpu.enqueue_indirect_dma source(%dma_start3A_59 : memref<10000x128xf32, #tpu.memory_space<hbm>>) target(%arg9 : memref<80x128xf32, #tpu.memory_space<vmem>>) offsets(%arg7 : memref<80xi32, #tpu.memory_space<vmem>>) semaphore(%arg13 : memref<!tpu.dma_semaphore, #tpu.memory_space<semaphore_mem>>)
      "tpu.region"() ({
        %run_scoped3A = tpu.sem_alloc : memref<!tpu.dma_semaphore, #tpu.memory_space<semaphore_mem>>
        %dma_start3A_67 = arith.constant 0 : i32
        %dma_start3A_68 = tpu.memref_slice %arg3[%add3A_57, %dma_start3A_67] : memref<320000x64xf32, #tpu.memory_space<hbm>> -> memref<80x64xf32, #tpu.memory_space<hbm>>
        %dma_start3A_69 = arith.constant 0 : i32
        %dma_start3A_70 = tpu.memref_slice %arg3[%add3A_57, %dma_start3A_69] : memref<320000x64xf32, #tpu.memory_space<hbm>> -> memref<80x64xf32, #tpu.memory_space<hbm>>
        tpu.enqueue_dma source(%dma_start3A_70 : memref<80x64xf32, #tpu.memory_space<hbm>>) target(%arg10 : memref<80x64xf32, #tpu.memory_space<vmem>>) target_semaphore(%run_scoped3A : memref<!tpu.dma_semaphore, #tpu.memory_space<semaphore_mem>>)
        %dma_wait3A_71 = arith.constant 0 : i32
        %dma_wait3A_72 = tpu.memref_slice %arg3[%add3A_57, %dma_wait3A_71] : memref<320000x64xf32, #tpu.memory_space<hbm>> -> memref<80x64xf32, #tpu.memory_space<hbm>>
        %dma_wait3A_73 = arith.constant 0 : i32
        %dma_wait3A_74 = tpu.memref_slice %arg3[%add3A_57, %dma_wait3A_73] : memref<320000x64xf32, #tpu.memory_space<hbm>> -> memref<80x64xf32, #tpu.memory_space<hbm>>
        tpu.wait_dma2 semaphore(%run_scoped3A : memref<!tpu.dma_semaphore, #tpu.memory_space<semaphore_mem>>) src(%dma_wait3A_74 : memref<80x64xf32, #tpu.memory_space<hbm>>) dst(%arg10 : memref<80x64xf32, #tpu.memory_space<vmem>>)
        tpu.yield
      }) : () -> ()
      %dma_wait3A = arith.constant 0 : i32
      %dma_wait3A_60 = arith.constant 0 : i32
      %dma_wait3A_61 = tpu.memref_slice %arg2[%dma_wait3A, %dma_wait3A_60] : memref<10000x128xf32, #tpu.memory_space<hbm>> -> memref<10000x128xf32, #tpu.memory_space<hbm>>
      tpu.wait_indirect_dma semaphore(%arg13 : memref<!tpu.dma_semaphore, #tpu.memory_space<semaphore_mem>>) src(%dma_wait3A_61 : memref<10000x128xf32, #tpu.memory_space<hbm>>) dst(%arg9 : memref<80x128xf32, #tpu.memory_space<vmem>>)
      %scan3A_62 = arith.constant 0 : i32
      %scan3A_63 = arith.constant 80 : i32
      %scan3A_64 = arith.addi %scan3A_62, %scan3A_63 : i32
      %scan3A_65 = arith.constant 1 : i32
      scf.for %scan3A_67 = %scan3A_62 to %scan3A_64 step %scan3A_65  : i32 {
        %mul3A_68 = arith.constant 1 : i32
        %mul3A_69 = arith.muli %scan3A_67, %mul3A_68 : i32
        %add3A_70 = arith.constant 0 : i32
        %add3A_71 = arith.addi %add3A_70, %mul3A_69 : i32
        %get3A = arith.index_cast %add3A_71 : i32 to index
        %get3A_72 = arith.constant 0 : index
        %get3A_73 = tpu.vector_load %arg9[%get3A, %get3A_72] {strides = array<i32>} : memref<80x128xf32, #tpu.memory_space<vmem>>, vector<1x16xf32>,
        %get3A_74 = vector.shape_cast %get3A_73 : vector<1x16xf32> to vector<16xf32>
        %get3A_75 = arith.index_cast %add3A_71 : i32 to index
        %get3A_76 = arith.constant 0 : index
        %get3A_77 = tpu.vector_load %arg10[%get3A_75, %get3A_76] {strides = array<i32>} : memref<80x64xf32, #tpu.memory_space<vmem>>, vector<1x16xf32>,
        %get3A_78 = vector.shape_cast %get3A_77 : vector<1x16xf32> to vector<16xf32>
        %add3A_79 = arith.addf %get3A_74, %get3A_78 : vector<16xf32>
        %max3A = arith.constant 0.000000e+00 : f32
        %max3A_80 = vector.broadcast %max3A : f32 to vector<16xf32>
        %max3A_81 = arith.maximumf %add3A_79, %max3A_80 : vector<16xf32>
        %swap3A = arith.index_cast %add3A_71 : i32 to index
        %swap3A_82 = arith.constant 0 : index
        %swap3A_83 = tpu.vector_load %arg10[%swap3A, %swap3A_82] {strides = array<i32>} : memref<80x64xf32, #tpu.memory_space<vmem>>, vector<1x16xf32>,
        %swap3A_84 = vector.shape_cast %swap3A_83 : vector<1x16xf32> to vector<16xf32>
        %swap3A_85 = vector.shape_cast %max3A_81 : vector<16xf32> to vector<1x16xf32>
        tpu.vector_store %arg10[%swap3A, %swap3A_82], %swap3A_85 {strides = array<i32>} : memref<80x64xf32, #tpu.memory_space<vmem>>, vector<1x16xf32>,
        %get3A_86 = arith.index_cast %add3A_71 : i32 to index
        %get3A_87 = arith.constant 16 : index
        %get3A_88 = tpu.vector_load %arg9[%get3A_86, %get3A_87] {strides = array<i32>} : memref<80x128xf32, #tpu.memory_space<vmem>>, vector<1x16xf32>,
        %get3A_89 = vector.shape_cast %get3A_88 : vector<1x16xf32> to vector<16xf32>
        %get3A_90 = arith.index_cast %add3A_71 : i32 to index
        %get3A_91 = arith.constant 16 : index
        %get3A_92 = tpu.vector_load %arg10[%get3A_90, %get3A_91] {strides = array<i32>} : memref<80x64xf32, #tpu.memory_space<vmem>>, vector<1x16xf32>,
        %get3A_93 = vector.shape_cast %get3A_92 : vector<1x16xf32> to vector<16xf32>
        %add3A_94 = arith.addf %get3A_89, %get3A_93 : vector<16xf32>
        %max3A_95 = arith.constant 0.000000e+00 : f32
        %max3A_96 = vector.broadcast %max3A_95 : f32 to vector<16xf32>
        %max3A_97 = arith.maximumf %add3A_94, %max3A_96 : vector<16xf32>
        %swap3A_98 = arith.index_cast %add3A_71 : i32 to index
        %swap3A_99 = arith.constant 16 : index
        %swap3A_100 = tpu.vector_load %arg10[%swap3A_98, %swap3A_99] {strides = array<i32>} : memref<80x64xf32, #tpu.memory_space<vmem>>, vector<1x16xf32>,
        %swap3A_101 = vector.shape_cast %swap3A_100 : vector<1x16xf32> to vector<16xf32>
        %swap3A_102 = vector.shape_cast %max3A_97 : vector<16xf32> to vector<1x16xf32>
        tpu.vector_store %arg10[%swap3A_98, %swap3A_99], %swap3A_102 {strides = array<i32>} : memref<80x64xf32, #tpu.memory_space<vmem>>, vector<1x16xf32>,
        %get3A_103 = arith.index_cast %add3A_71 : i32 to index
        %get3A_104 = arith.constant 32 : index
        %get3A_105 = tpu.vector_load %arg9[%get3A_103, %get3A_104] {strides = array<i32>} : memref<80x128xf32, #tpu.memory_space<vmem>>, vector<1x16xf32>,
        %get3A_106 = vector.shape_cast %get3A_105 : vector<1x16xf32> to vector<16xf32>
        %get3A_107 = arith.index_cast %add3A_71 : i32 to index
        %get3A_108 = arith.constant 32 : index
        %get3A_109 = tpu.vector_load %arg10[%get3A_107, %get3A_108] {strides = array<i32>} : memref<80x64xf32, #tpu.memory_space<vmem>>, vector<1x16xf32>,
        %get3A_110 = vector.shape_cast %get3A_109 : vector<1x16xf32> to vector<16xf32>
        %add3A_111 = arith.addf %get3A_106, %get3A_110 : vector<16xf32>
        %max3A_112 = arith.constant 0.000000e+00 : f32
        %max3A_113 = vector.broadcast %max3A_112 : f32 to vector<16xf32>
        %max3A_114 = arith.maximumf %add3A_111, %max3A_113 : vector<16xf32>
        %swap3A_115 = arith.index_cast %add3A_71 : i32 to index
        %swap3A_116 = arith.constant 32 : index
        %swap3A_117 = tpu.vector_load %arg10[%swap3A_115, %swap3A_116] {strides = array<i32>} : memref<80x64xf32, #tpu.memory_space<vmem>>, vector<1x16xf32>,
        %swap3A_118 = vector.shape_cast %swap3A_117 : vector<1x16xf32> to vector<16xf32>
        %swap3A_119 = vector.shape_cast %max3A_114 : vector<16xf32> to vector<1x16xf32>
        tpu.vector_store %arg10[%swap3A_115, %swap3A_116], %swap3A_119 {strides = array<i32>} : memref<80x64xf32, #tpu.memory_space<vmem>>, vector<1x16xf32>,
        %get3A_120 = arith.index_cast %add3A_71 : i32 to index
        %get3A_121 = arith.constant 48 : index
        %get3A_122 = tpu.vector_load %arg9[%get3A_120, %get3A_121] {strides = array<i32>} : memref<80x128xf32, #tpu.memory_space<vmem>>, vector<1x16xf32>,
        %get3A_123 = vector.shape_cast %get3A_122 : vector<1x16xf32> to vector<16xf32>
        %get3A_124 = arith.index_cast %add3A_71 : i32 to index
        %get3A_125 = arith.constant 48 : index
        %get3A_126 = tpu.vector_load %arg10[%get3A_124, %get3A_125] {strides = array<i32>} : memref<80x64xf32, #tpu.memory_space<vmem>>, vector<1x16xf32>,
        %get3A_127 = vector.shape_cast %get3A_126 : vector<1x16xf32> to vector<16xf32>
        %add3A_128 = arith.addf %get3A_123, %get3A_127 : vector<16xf32>
        %max3A_129 = arith.constant 0.000000e+00 : f32
        %max3A_130 = vector.broadcast %max3A_129 : f32 to vector<16xf32>
        %max3A_131 = arith.maximumf %add3A_128, %max3A_130 : vector<16xf32>
        %swap3A_132 = arith.index_cast %add3A_71 : i32 to index
        %swap3A_133 = arith.constant 48 : index
        %swap3A_134 = tpu.vector_load %arg10[%swap3A_132, %swap3A_133] {strides = array<i32>} : memref<80x64xf32, #tpu.memory_space<vmem>>, vector<1x16xf32>,
        %swap3A_135 = vector.shape_cast %swap3A_134 : vector<1x16xf32> to vector<16xf32>
        %swap3A_136 = vector.shape_cast %max3A_131 : vector<16xf32> to vector<1x16xf32>
        tpu.vector_store %arg10[%swap3A_132, %swap3A_133], %swap3A_136 {strides = array<i32>} : memref<80x64xf32, #tpu.memory_space<vmem>>, vector<1x16xf32>,
      }
      %scan3A_66 = arith.constant 80 : i32
      "tpu.region"() ({
        %run_scoped3A = tpu.sem_alloc : memref<!tpu.dma_semaphore, #tpu.memory_space<semaphore_mem>>
        %dma_start3A_67 = arith.constant 0 : i32
        %dma_start3A_68 = arith.constant 0 : i32
        %dma_start3A_69 = tpu.memref_slice %arg12[%dma_start3A_67, %dma_start3A_68] : memref<10000x64xf32, #tpu.memory_space<vmem_shared>> -> memref<10000x64xf32, #tpu.memory_space<vmem_shared>>
        tpu.enqueue_indirect_dma source(%arg10 : memref<80x64xf32, #tpu.memory_space<vmem>>) target(%dma_start3A_69 : memref<10000x64xf32, #tpu.memory_space<vmem_shared>>) offsets(%arg8 : memref<80xi32, #tpu.memory_space<vmem>>) semaphore(%run_scoped3A : memref<!tpu.dma_semaphore, #tpu.memory_space<semaphore_mem>>) {add = true}
        %dma_wait3A_70 = arith.constant 0 : i32
        %dma_wait3A_71 = arith.constant 0 : i32
        %dma_wait3A_72 = tpu.memref_slice %arg12[%dma_wait3A_70, %dma_wait3A_71] : memref<10000x64xf32, #tpu.memory_space<vmem_shared>> -> memref<10000x64xf32, #tpu.memory_space<vmem_shared>>
        tpu.wait_indirect_dma semaphore(%run_scoped3A : memref<!tpu.dma_semaphore, #tpu.memory_space<semaphore_mem>>) src(%arg10 : memref<80x64xf32, #tpu.memory_space<vmem>>) dst(%dma_wait3A_72 : memref<10000x64xf32, #tpu.memory_space<vmem_shared>>)
        tpu.yield
      }) : () -> ()
    }
    %scan3A_27 = arith.constant 125 : i32
    %barrier3A_28 = arith.constant 0 : index
    tpu.barrier barrier_id(%barrier3A_28)
    %sub3A_29 = arith.constant 0 : i32
    %sub3A_30 = arith.subi %select_n3A, %sub3A_29 : i32
    %sub3A_31 = arith.constant 1 : i32
    %sub3A_32 = arith.constant 1 : i32
    %sub3A_33 = arith.subi %sub3A_31, %sub3A_32 : i32
    %add3A_34 = arith.addi %sub3A_30, %sub3A_33 : i32
    %div3A_35 = arith.constant 1 : i32
    %div3A_36 = arith.divsi %add3A_34, %div3A_35 : i32
    %while3A_37 = arith.constant 1 : i32
    %while3A_38 = arith.constant 0 : i32
    %while3A_39 = arith.constant 0 : i32
    %while3A_40 = arith.subi %div3A_36, %while3A_39 : i32
    %while3A_41 = arith.addi %while3A_39, %while3A_40 : i32
    %while3A_42 = arith.constant 1 : i32
    %while3A_43 = arith.divsi %while3A_40, %while3A_42 : i32
    %while3A_44 = arith.muli %while3A_43, %while3A_42 : i32
    %while3A_45 = arith.addi %while3A_39, %while3A_44 : i32
    %while3A_46 = arith.constant 1 : i32
    scf.for %while3A_48 = %while3A_39 to %while3A_45 step %while3A_46  : i32 {
      %mul3A_49 = arith.muli %while3A_48, %while3A_37 : i32
      %add3A_50 = arith.addi %while3A_38, %mul3A_49 : i32
      %mul3A_51 = arith.constant 16 : i32
      %mul3A_52 = arith.muli %add3A_50, %mul3A_51 : i32
      %add3A_53 = arith.addi %arg1, %mul3A_52 : i32
      %mul3A_54 = arith.constant 80 : i32
      %mul3A_55 = arith.muli %add3A_53, %mul3A_54 : i32
      "tpu.region"() ({
        %run_scoped3A = tpu.sem_alloc : memref<!tpu.dma_semaphore, #tpu.memory_space<semaphore_mem>>
        %dma_start3A = arith.constant 0 : i32
        %dma_start3A_56 = arith.constant 0 : i32
        %dma_start3A_57 = tpu.memref_slice %arg6[%arg0, %dma_start3A, %dma_start3A_56] : memref<2x10000x64xf32, #tpu.memory_space<hbm>> -> memref<1x10000x64xf32, #tpu.memory_space<hbm>>
        %dma_start3A_58 = tpu.memref_squeeze %dma_start3A_57 : memref<1x10000x64xf32, #tpu.memory_space<hbm>> -> memref<10000x64xf32, #tpu.memory_space<hbm>>
        %dma_start3A_59 = arith.constant 0 : i32
        %dma_start3A_60 = tpu.memref_slice %dma_start3A_58[%mul3A_55, %dma_start3A_59] : memref<10000x64xf32, #tpu.memory_space<hbm>> -> memref<80x64xf32, #tpu.memory_space<hbm>>
        %dma_start3A_61 = arith.constant 0 : i32
        %dma_start3A_62 = tpu.memref_slice %arg12[%mul3A_55, %dma_start3A_61] : memref<10000x64xf32, #tpu.memory_space<vmem_shared>> -> memref<80x64xf32, #tpu.memory_space<vmem_shared>>
        tpu.enqueue_dma source(%dma_start3A_62 : memref<80x64xf32, #tpu.memory_space<vmem_shared>>) target(%dma_start3A_60 : memref<80x64xf32, #tpu.memory_space<hbm>>) target_semaphore(%run_scoped3A : memref<!tpu.dma_semaphore, #tpu.memory_space<semaphore_mem>>)
        %dma_wait3A = arith.constant 0 : i32
        %dma_wait3A_63 = arith.constant 0 : i32
        %dma_wait3A_64 = tpu.memref_slice %arg6[%arg0, %dma_wait3A, %dma_wait3A_63] : memref<2x10000x64xf32, #tpu.memory_space<hbm>> -> memref<1x10000x64xf32, #tpu.memory_space<hbm>>
        %dma_wait3A_65 = tpu.memref_squeeze %dma_wait3A_64 : memref<1x10000x64xf32, #tpu.memory_space<hbm>> -> memref<10000x64xf32, #tpu.memory_space<hbm>>
        %dma_wait3A_66 = arith.constant 0 : i32
        %dma_wait3A_67 = tpu.memref_slice %dma_wait3A_65[%mul3A_55, %dma_wait3A_66] : memref<10000x64xf32, #tpu.memory_space<hbm>> -> memref<80x64xf32, #tpu.memory_space<hbm>>
        %dma_wait3A_68 = arith.constant 0 : i32
        %dma_wait3A_69 = tpu.memref_slice %arg12[%mul3A_55, %dma_wait3A_68] : memref<10000x64xf32, #tpu.memory_space<vmem_shared>> -> memref<80x64xf32, #tpu.memory_space<vmem_shared>>
        tpu.wait_dma2 semaphore(%run_scoped3A : memref<!tpu.dma_semaphore, #tpu.memory_space<semaphore_mem>>) src(%dma_wait3A_69 : memref<80x64xf32, #tpu.memory_space<vmem_shared>>) dst(%dma_wait3A_67 : memref<80x64xf32, #tpu.memory_space<hbm>>)
        tpu.yield
      }) : () -> ()
    }
    %while3A_47 = arith.constant 1 : i32
    scf.for %while3A_48 = %while3A_45 to %while3A_41 step %while3A_47  : i32 {
      %mul3A_49 = arith.muli %while3A_48, %while3A_37 : i32
      %add3A_50 = arith.addi %while3A_38, %mul3A_49 : i32
      %mul3A_51 = arith.constant 16 : i32
      %mul3A_52 = arith.muli %add3A_50, %mul3A_51 : i32
      %add3A_53 = arith.addi %arg1, %mul3A_52 : i32
      %mul3A_54 = arith.constant 80 : i32
      %mul3A_55 = arith.muli %add3A_53, %mul3A_54 : i32
      "tpu.region"() ({
        %run_scoped3A = tpu.sem_alloc : memref<!tpu.dma_semaphore, #tpu.memory_space<semaphore_mem>>
        %dma_start3A = arith.constant 0 : i32
        %dma_start3A_56 = arith.constant 0 : i32
        %dma_start3A_57 = tpu.memref_slice %arg6[%arg0, %dma_start3A, %dma_start3A_56] : memref<2x10000x64xf32, #tpu.memory_space<hbm>> -> memref<1x10000x64xf32, #tpu.memory_space<hbm>>
        %dma_start3A_58 = tpu.memref_squeeze %dma_start3A_57 : memref<1x10000x64xf32, #tpu.memory_space<hbm>> -> memref<10000x64xf32, #tpu.memory_space<hbm>>
        %dma_start3A_59 = arith.constant 0 : i32
        %dma_start3A_60 = tpu.memref_slice %dma_start3A_58[%mul3A_55, %dma_start3A_59] : memref<10000x64xf32, #tpu.memory_space<hbm>> -> memref<80x64xf32, #tpu.memory_space<hbm>>
        %dma_start3A_61 = arith.constant 0 : i32
        %dma_start3A_62 = tpu.memref_slice %arg12[%mul3A_55, %dma_start3A_61] : memref<10000x64xf32, #tpu.memory_space<vmem_shared>> -> memref<80x64xf32, #tpu.memory_space<vmem_shared>>
        tpu.enqueue_dma source(%dma_start3A_62 : memref<80x64xf32, #tpu.memory_space<vmem_shared>>) target(%dma_start3A_60 : memref<80x64xf32, #tpu.memory_space<hbm>>) target_semaphore(%run_scoped3A : memref<!tpu.dma_semaphore, #tpu.memory_space<semaphore_mem>>)
        %dma_wait3A = arith.constant 0 : i32
        %dma_wait3A_63 = arith.constant 0 : i32
        %dma_wait3A_64 = tpu.memref_slice %arg6[%arg0, %dma_wait3A, %dma_wait3A_63] : memref<2x10000x64xf32, #tpu.memory_space<hbm>> -> memref<1x10000x64xf32, #tpu.memory_space<hbm>>
        %dma_wait3A_65 = tpu.memref_squeeze %dma_wait3A_64 : memref<1x10000x64xf32, #tpu.memory_space<hbm>> -> memref<10000x64xf32, #tpu.memory_space<hbm>>
        %dma_wait3A_66 = arith.constant 0 : i32
        %dma_wait3A_67 = tpu.memref_slice %dma_wait3A_65[%mul3A_55, %dma_wait3A_66] : memref<10000x64xf32, #tpu.memory_space<hbm>> -> memref<80x64xf32, #tpu.memory_space<hbm>>
        %dma_wait3A_68 = arith.constant 0 : i32
        %dma_wait3A_69 = tpu.memref_slice %arg12[%mul3A_55, %dma_wait3A_68] : memref<10000x64xf32, #tpu.memory_space<vmem_shared>> -> memref<80x64xf32, #tpu.memory_space<vmem_shared>>
        tpu.wait_dma2 semaphore(%run_scoped3A : memref<!tpu.dma_semaphore, #tpu.memory_space<semaphore_mem>>) src(%dma_wait3A_69 : memref<80x64xf32, #tpu.memory_space<vmem_shared>>) dst(%dma_wait3A_67 : memref<80x64xf32, #tpu.memory_space<hbm>>)
        tpu.yield
      }) : () -> ()
    }
    return
  }
}

module attributes {stable_mosaic.version = 14 : i64} {
  func.func @body(%arg0: i32, %arg1: memref<8000x16xf32, #tpu.memory_space<vmem>>, %arg2: memref<16x192xf32, #tpu.memory_space<vmem>>, %arg3: memref<8000x64xf32, #tpu.memory_space<vmem>>, %arg4: memref<8000x64xf32, #tpu.memory_space<vmem>>, %arg5: memref<8000x64xf32, #tpu.memory_space<vmem>>) attributes {dimension_semantics = [#tpu.dimension_semantics<arbitrary>], iteration_bounds = array<i64: 40>, scalar_prefetch = 0 : i64, scratch_operands = 0 : i64, tpu.core_type = #tpu.core_type<tc>, window_params = [{transform_indices = @transform_0, window_bounds = array<i64: 8000, 16>}, {pipeline_mode = #tpu.pipeline_mode<synchronous>, transform_indices = @transform_1, window_bounds = array<i64: 16, 192>}, {transform_indices = @transform_2, window_bounds = array<i64: 8000, 64>}, {transform_indices = @transform_3, window_bounds = array<i64: 8000, 64>}, {transform_indices = @transform_4, window_bounds = array<i64: 8000, 64>}]} {
    %get3A = arith.constant 0 : index
    %get3A_0 = arith.constant 0 : index
    %get3A_1 = vector.load %arg1[%get3A, %get3A_0] : memref<8000x16xf32, #tpu.memory_space<vmem>>, vector<8000x16xf32>
    %get3A_2 = arith.constant 0 : index
    %get3A_3 = arith.constant 0 : index
    %get3A_4 = vector.load %arg2[%get3A_2, %get3A_3] : memref<16x192xf32, #tpu.memory_space<vmem>>, vector<16x192xf32>
    %dot_general3A = arith.constant dense<0.000000e+00> : vector<8000x192xf32>
    %dot_general3A_5 = tpu.matmul %get3A_1, %get3A_4, %dot_general3A {dimension_numbers = #tpu.dot_dimension_numbers<[1], [0], [0], [1], [0, 0, 1, 1], [], []>, transpose_lhs_hint = false} : vector<8000x16xf32>, vector<16x192xf32>, vector<8000x192xf32> -> vector<8000x192xf32>
    %slice3A = vector.extract_strided_slice %dot_general3A_5 {offsets = [0, 0], sizes = [8000, 64], strides = [1, 1]} : vector<8000x192xf32> to vector<8000x64xf32>
    %swap3A = arith.constant 0 : index
    %swap3A_6 = arith.constant 0 : index
    %swap3A_7 = vector.load %arg3[%swap3A, %swap3A_6] : memref<8000x64xf32, #tpu.memory_space<vmem>>, vector<8000x64xf32>
    tpu.vector_store %arg3[%swap3A, %swap3A_6], %slice3A {strides = array<i32>} : memref<8000x64xf32, #tpu.memory_space<vmem>>, vector<8000x64xf32>,
    %slice3A_8 = vector.extract_strided_slice %dot_general3A_5 {offsets = [0, 64], sizes = [8000, 64], strides = [1, 1]} : vector<8000x192xf32> to vector<8000x64xf32>
    %swap3A_9 = arith.constant 0 : index
    %swap3A_10 = arith.constant 0 : index
    %swap3A_11 = vector.load %arg4[%swap3A_9, %swap3A_10] : memref<8000x64xf32, #tpu.memory_space<vmem>>, vector<8000x64xf32>
    tpu.vector_store %arg4[%swap3A_9, %swap3A_10], %slice3A_8 {strides = array<i32>} : memref<8000x64xf32, #tpu.memory_space<vmem>>, vector<8000x64xf32>,
    %slice3A_12 = vector.extract_strided_slice %dot_general3A_5 {offsets = [0, 128], sizes = [8000, 64], strides = [1, 1]} : vector<8000x192xf32> to vector<8000x64xf32>
    %swap3A_13 = arith.constant 0 : index
    %swap3A_14 = arith.constant 0 : index
    %swap3A_15 = vector.load %arg5[%swap3A_13, %swap3A_14] : memref<8000x64xf32, #tpu.memory_space<vmem>>, vector<8000x64xf32>
    tpu.vector_store %arg5[%swap3A_13, %swap3A_14], %slice3A_12 {strides = array<i32>} : memref<8000x64xf32, #tpu.memory_space<vmem>>, vector<8000x64xf32>,
    return
  }
  func.func @transform_0(%arg0: i32) -> (i32, i32) {
    %c0_i32 = arith.constant 0 : i32
    %c0_i32_0 = arith.constant 0 : i32
    return %arg0, %c0_i32 : i32, i32
  }
  func.func @transform_1(%arg0: i32) -> (i32, i32) {
    %c0_i32 = arith.constant 0 : i32
    %c0_i32_0 = arith.constant 0 : i32
    %c0_i32_1 = arith.constant 0 : i32
    return %c0_i32, %c0_i32_0 : i32, i32
  }
  func.func @transform_2(%arg0: i32) -> (i32, i32) {
    %c0_i32 = arith.constant 0 : i32
    %c0_i32_0 = arith.constant 0 : i32
    return %arg0, %c0_i32 : i32, i32
  }
  func.func @transform_3(%arg0: i32) -> (i32, i32) {
    %c0_i32 = arith.constant 0 : i32
    %c0_i32_0 = arith.constant 0 : i32
    return %arg0, %c0_i32 : i32, i32
  }
  func.func @transform_4(%arg0: i32) -> (i32, i32) {
    %c0_i32 = arith.constant 0 : i32
    %c0_i32_0 = arith.constant 0 : i32
    return %arg0, %c0_i32 : i32, i32
  }
}

module attributes {stable_mosaic.version = 14 : i64} {
  func.func @body(%arg0: i32, %arg1: memref<2000x128xf32, #tpu.memory_space<vmem>>, %arg2: memref<128x64xf32, #tpu.memory_space<vmem>>, %arg3: memref<1x64xf32, #tpu.memory_space<vmem>>, %arg4: memref<64x64xf32, #tpu.memory_space<vmem>>, %arg5: memref<1x64xf32, #tpu.memory_space<vmem>>, %arg6: memref<2000x64xf32, #tpu.memory_space<vmem>>, %arg7: memref<2000x128xf32, #tpu.memory_space<vmem>>) attributes {dimension_semantics = [#tpu.dimension_semantics<arbitrary>], iteration_bounds = array<i64: 5>, scalar_prefetch = 0 : i64, scratch_operands = 0 : i64, tpu.core_type = #tpu.core_type<tc>, window_params = [{transform_indices = @transform_0, window_bounds = array<i64: 2000, 128>}, {pipeline_mode = #tpu.pipeline_mode<synchronous>, transform_indices = @transform_1, window_bounds = array<i64: 128, 64>}, {pipeline_mode = #tpu.pipeline_mode<synchronous>, transform_indices = @transform_2, window_bounds = array<i64: 1, 64>}, {pipeline_mode = #tpu.pipeline_mode<synchronous>, transform_indices = @transform_3, window_bounds = array<i64: 64, 64>}, {pipeline_mode = #tpu.pipeline_mode<synchronous>, transform_indices = @transform_4, window_bounds = array<i64: 1, 64>}, {transform_indices = @transform_5, window_bounds = array<i64: 2000, 64>}, {transform_indices = @transform_6, window_bounds = array<i64: 2000, 128>}]} {
    %get3A = arith.constant 0 : index
    %get3A_0 = arith.constant 0 : index
    %get3A_1 = vector.load %arg1[%get3A, %get3A_0] : memref<2000x128xf32, #tpu.memory_space<vmem>>, vector<2000x128xf32>
    %get3A_2 = arith.constant 0 : index
    %get3A_3 = arith.constant 0 : index
    %get3A_4 = vector.load %arg2[%get3A_2, %get3A_3] : memref<128x64xf32, #tpu.memory_space<vmem>>, vector<128x64xf32>
    %dot_general3A = arith.constant dense<0.000000e+00> : vector<2000x64xf32>
    %dot_general3A_5 = tpu.matmul %get3A_1, %get3A_4, %dot_general3A {dimension_numbers = #tpu.dot_dimension_numbers<[1], [0], [0], [1], [0, 0, 1, 1], [], []>, transpose_lhs_hint = false} : vector<2000x128xf32>, vector<128x64xf32>, vector<2000x64xf32> -> vector<2000x64xf32>
    %get3A_6 = arith.constant 0 : index
    %get3A_7 = arith.constant 0 : index
    %get3A_8 = vector.load %arg3[%get3A_6, %get3A_7] : memref<1x64xf32, #tpu.memory_space<vmem>>, vector<1x64xf32>
    %add3A = vector.broadcast %get3A_8 : vector<1x64xf32> to vector<2000x64xf32>
    %add3A_9 = arith.addf %dot_general3A_5, %add3A : vector<2000x64xf32>
    %swap3A = arith.constant 0 : index
    %swap3A_10 = arith.constant 0 : index
    %swap3A_11 = vector.load %arg6[%swap3A, %swap3A_10] : memref<2000x64xf32, #tpu.memory_space<vmem>>, vector<2000x64xf32>
    tpu.vector_store %arg6[%swap3A, %swap3A_10], %add3A_9 {strides = array<i32>} : memref<2000x64xf32, #tpu.memory_space<vmem>>, vector<2000x64xf32>,
    %get3A_12 = arith.constant 0 : index
    %get3A_13 = arith.constant 0 : index
    %get3A_14 = vector.load %arg4[%get3A_12, %get3A_13] : memref<64x64xf32, #tpu.memory_space<vmem>>, vector<64x64xf32>
    %dot_general3A_15 = arith.constant dense<0.000000e+00> : vector<2000x64xf32>
    %dot_general3A_16 = tpu.matmul %add3A_9, %get3A_14, %dot_general3A_15 {dimension_numbers = #tpu.dot_dimension_numbers<[1], [0], [0], [1], [0, 0, 1, 1], [], []>, transpose_lhs_hint = false} : vector<2000x64xf32>, vector<64x64xf32>, vector<2000x64xf32> -> vector<2000x64xf32>
    %get3A_17 = arith.constant 0 : index
    %get3A_18 = arith.constant 0 : index
    %get3A_19 = vector.load %arg5[%get3A_17, %get3A_18] : memref<1x64xf32, #tpu.memory_space<vmem>>, vector<1x64xf32>
    %add3A_20 = vector.broadcast %get3A_19 : vector<1x64xf32> to vector<2000x64xf32>
    %add3A_21 = arith.addf %dot_general3A_16, %add3A_20 : vector<2000x64xf32>
    %broadcast_in_dim3A = arith.constant 0.000000e+00 : f32
    %broadcast_in_dim3A_22 = vector.broadcast %broadcast_in_dim3A : f32 to vector<2000x64xf32>
    %concatenate3A = tpu.concatenate %add3A_21, %broadcast_in_dim3A_22 in 1 : vector<2000x64xf32>, vector<2000x64xf32> -> vector<2000x128xf32>
    %swap3A_23 = arith.constant 0 : index
    %swap3A_24 = arith.constant 0 : index
    %swap3A_25 = vector.load %arg7[%swap3A_23, %swap3A_24] : memref<2000x128xf32, #tpu.memory_space<vmem>>, vector<2000x128xf32>
    tpu.vector_store %arg7[%swap3A_23, %swap3A_24], %concatenate3A {strides = array<i32>} : memref<2000x128xf32, #tpu.memory_space<vmem>>, vector<2000x128xf32>,
    return
  }
  func.func @transform_0(%arg0: i32) -> (i32, i32) {
    %c0_i32 = arith.constant 0 : i32
    %c0_i32_0 = arith.constant 0 : i32
    return %arg0, %c0_i32 : i32, i32
  }
  func.func @transform_1(%arg0: i32) -> (i32, i32) {
    %c0_i32 = arith.constant 0 : i32
    %c0_i32_0 = arith.constant 0 : i32
    %c0_i32_1 = arith.constant 0 : i32
    return %c0_i32, %c0_i32_0 : i32, i32
  }
  func.func @transform_2(%arg0: i32) -> (i32, i32) {
    %c0_i32 = arith.constant 0 : i32
    %c0_i32_0 = arith.constant 0 : i32
    %c0_i32_1 = arith.constant 0 : i32
    return %c0_i32, %c0_i32_0 : i32, i32
  }
  func.func @transform_3(%arg0: i32) -> (i32, i32) {
    %c0_i32 = arith.constant 0 : i32
    %c0_i32_0 = arith.constant 0 : i32
    %c0_i32_1 = arith.constant 0 : i32
    return %c0_i32, %c0_i32_0 : i32, i32
  }
  func.func @transform_4(%arg0: i32) -> (i32, i32) {
    %c0_i32 = arith.constant 0 : i32
    %c0_i32_0 = arith.constant 0 : i32
    %c0_i32_1 = arith.constant 0 : i32
    return %c0_i32, %c0_i32_0 : i32, i32
  }
  func.func @transform_5(%arg0: i32) -> (i32, i32) {
    %c0_i32 = arith.constant 0 : i32
    %c0_i32_0 = arith.constant 0 : i32
    return %arg0, %c0_i32 : i32, i32
  }
  func.func @transform_6(%arg0: i32) -> (i32, i32) {
    %c0_i32 = arith.constant 0 : i32
    %c0_i32_0 = arith.constant 0 : i32
    return %arg0, %c0_i32 : i32, i32
  }
}

module attributes {stable_mosaic.version = 14 : i64} {
  func.func @body(%arg0: i32, %arg1: memref<2000x64xf32, #tpu.memory_space<vmem>>, %arg2: memref<1x2000x64xf32, #tpu.memory_space<vmem>>, %arg3: memref<1x2000x64xf32, #tpu.memory_space<vmem>>, %arg4: memref<64x64xf32, #tpu.memory_space<vmem>>, %arg5: memref<64x64xf32, #tpu.memory_space<vmem>>, %arg6: memref<1x64xf32, #tpu.memory_space<vmem>>, %arg7: memref<64x64xf32, #tpu.memory_space<vmem>>, %arg8: memref<1x64xf32, #tpu.memory_space<vmem>>, %arg9: memref<2000x64xf32, #tpu.memory_space<vmem>>, %arg10: memref<2000x128xf32, #tpu.memory_space<vmem>>) attributes {dimension_semantics = [#tpu.dimension_semantics<arbitrary>], iteration_bounds = array<i64: 5>, scalar_prefetch = 0 : i64, scratch_operands = 0 : i64, tpu.core_type = #tpu.core_type<tc>, window_params = [{transform_indices = @transform_0, window_bounds = array<i64: 2000, 64>}, {transform_indices = @transform_1, window_bounds = array<i64: 1, 2000, 64>}, {transform_indices = @transform_2, window_bounds = array<i64: 1, 2000, 64>}, {pipeline_mode = #tpu.pipeline_mode<synchronous>, transform_indices = @transform_3, window_bounds = array<i64: 64, 64>}, {pipeline_mode = #tpu.pipeline_mode<synchronous>, transform_indices = @transform_4, window_bounds = array<i64: 64, 64>}, {pipeline_mode = #tpu.pipeline_mode<synchronous>, transform_indices = @transform_5, window_bounds = array<i64: 1, 64>}, {pipeline_mode = #tpu.pipeline_mode<synchronous>, transform_indices = @transform_6, window_bounds = array<i64: 64, 64>}, {pipeline_mode = #tpu.pipeline_mode<synchronous>, transform_indices = @transform_7, window_bounds = array<i64: 1, 64>}, {transform_indices = @transform_8, window_bounds = array<i64: 2000, 64>}, {transform_indices = @transform_9, window_bounds = array<i64: 2000, 128>}]} {
    %get3A = arith.constant 0 : index
    %get3A_0 = arith.constant 0 : index
    %get3A_1 = vector.load %arg1[%get3A, %get3A_0] : memref<2000x64xf32, #tpu.memory_space<vmem>>, vector<2000x64xf32>
    %get3A_2 = arith.constant 0 : index
    %get3A_3 = arith.constant 0 : index
    %get3A_4 = vector.load %arg4[%get3A_2, %get3A_3] : memref<64x64xf32, #tpu.memory_space<vmem>>, vector<64x64xf32>
    %dot_general3A = arith.constant dense<0.000000e+00> : vector<2000x64xf32>
    %dot_general3A_5 = tpu.matmul %get3A_1, %get3A_4, %dot_general3A {dimension_numbers = #tpu.dot_dimension_numbers<[1], [0], [0], [1], [0, 0, 1, 1], [], []>, transpose_lhs_hint = false} : vector<2000x64xf32>, vector<64x64xf32>, vector<2000x64xf32> -> vector<2000x64xf32>
    %get3A_6 = arith.constant 0 : index
    %get3A_7 = arith.constant 0 : index
    %get3A_8 = arith.constant 0 : index
    %get3A_9 = vector.load %arg2[%get3A_6, %get3A_7, %get3A_8] : memref<1x2000x64xf32, #tpu.memory_space<vmem>>, vector<1x2000x64xf32>
    %get3A_10 = vector.shape_cast %get3A_9 : vector<1x2000x64xf32> to vector<2000x64xf32>
    %get3A_11 = arith.constant 0 : index
    %get3A_12 = arith.constant 0 : index
    %get3A_13 = arith.constant 0 : index
    %get3A_14 = vector.load %arg3[%get3A_11, %get3A_12, %get3A_13] : memref<1x2000x64xf32, #tpu.memory_space<vmem>>, vector<1x2000x64xf32>
    %get3A_15 = vector.shape_cast %get3A_14 : vector<1x2000x64xf32> to vector<2000x64xf32>
    %add3A = arith.addf %get3A_10, %get3A_15 : vector<2000x64xf32>
    %get3A_16 = arith.constant 0 : index
    %get3A_17 = arith.constant 0 : index
    %get3A_18 = vector.load %arg5[%get3A_16, %get3A_17] : memref<64x64xf32, #tpu.memory_space<vmem>>, vector<64x64xf32>
    %dot_general3A_19 = arith.constant dense<0.000000e+00> : vector<2000x64xf32>
    %dot_general3A_20 = tpu.matmul %add3A, %get3A_18, %dot_general3A_19 {dimension_numbers = #tpu.dot_dimension_numbers<[1], [0], [0], [1], [0, 0, 1, 1], [], []>, transpose_lhs_hint = false} : vector<2000x64xf32>, vector<64x64xf32>, vector<2000x64xf32> -> vector<2000x64xf32>
    %add3A_21 = arith.addf %dot_general3A_5, %dot_general3A_20 : vector<2000x64xf32>
    %get3A_22 = arith.constant 0 : index
    %get3A_23 = arith.constant 0 : index
    %get3A_24 = vector.load %arg6[%get3A_22, %get3A_23] : memref<1x64xf32, #tpu.memory_space<vmem>>, vector<1x64xf32>
    %add3A_25 = vector.broadcast %get3A_24 : vector<1x64xf32> to vector<2000x64xf32>
    %add3A_26 = arith.addf %add3A_21, %add3A_25 : vector<2000x64xf32>
    %max3A = arith.constant 0.000000e+00 : f32
    %max3A_27 = vector.broadcast %max3A : f32 to vector<2000x64xf32>
    %max3A_28 = arith.maximumf %add3A_26, %max3A_27 : vector<2000x64xf32>
    %mul3A = arith.constant 0.999994993 : f32
    %mul3A_29 = vector.broadcast %mul3A : f32 to vector<2000x64xf32>
    %mul3A_30 = arith.mulf %mul3A_29, %max3A_28 : vector<2000x64xf32>
    %swap3A = arith.constant 0 : index
    %swap3A_31 = arith.constant 0 : index
    %swap3A_32 = vector.load %arg9[%swap3A, %swap3A_31] : memref<2000x64xf32, #tpu.memory_space<vmem>>, vector<2000x64xf32>
    tpu.vector_store %arg9[%swap3A, %swap3A_31], %mul3A_30 {strides = array<i32>} : memref<2000x64xf32, #tpu.memory_space<vmem>>, vector<2000x64xf32>,
    %get3A_33 = arith.constant 0 : index
    %get3A_34 = arith.constant 0 : index
    %get3A_35 = vector.load %arg7[%get3A_33, %get3A_34] : memref<64x64xf32, #tpu.memory_space<vmem>>, vector<64x64xf32>
    %dot_general3A_36 = arith.constant dense<0.000000e+00> : vector<2000x64xf32>
    %dot_general3A_37 = tpu.matmul %mul3A_30, %get3A_35, %dot_general3A_36 {dimension_numbers = #tpu.dot_dimension_numbers<[1], [0], [0], [1], [0, 0, 1, 1], [], []>, transpose_lhs_hint = false} : vector<2000x64xf32>, vector<64x64xf32>, vector<2000x64xf32> -> vector<2000x64xf32>
    %get3A_38 = arith.constant 0 : index
    %get3A_39 = arith.constant 0 : index
    %get3A_40 = vector.load %arg8[%get3A_38, %get3A_39] : memref<1x64xf32, #tpu.memory_space<vmem>>, vector<1x64xf32>
    %add3A_41 = vector.broadcast %get3A_40 : vector<1x64xf32> to vector<2000x64xf32>
    %add3A_42 = arith.addf %dot_general3A_37, %add3A_41 : vector<2000x64xf32>
    %broadcast_in_dim3A = arith.constant 0.000000e+00 : f32
    %broadcast_in_dim3A_43 = vector.broadcast %broadcast_in_dim3A : f32 to vector<2000x64xf32>
    %concatenate3A = tpu.concatenate %add3A_42, %broadcast_in_dim3A_43 in 1 : vector<2000x64xf32>, vector<2000x64xf32> -> vector<2000x128xf32>
    %swap3A_44 = arith.constant 0 : index
    %swap3A_45 = arith.constant 0 : index
    %swap3A_46 = vector.load %arg10[%swap3A_44, %swap3A_45] : memref<2000x128xf32, #tpu.memory_space<vmem>>, vector<2000x128xf32>
    tpu.vector_store %arg10[%swap3A_44, %swap3A_45], %concatenate3A {strides = array<i32>} : memref<2000x128xf32, #tpu.memory_space<vmem>>, vector<2000x128xf32>,
    return
  }
  func.func @transform_0(%arg0: i32) -> (i32, i32) {
    %c0_i32 = arith.constant 0 : i32
    %c0_i32_0 = arith.constant 0 : i32
    return %arg0, %c0_i32 : i32, i32
  }
  func.func @transform_1(%arg0: i32) -> (i32, i32, i32) {
    %c0_i32 = arith.constant 0 : i32
    %c0_i32_0 = arith.constant 0 : i32
    %c0_i32_1 = arith.constant 0 : i32
    return %c0_i32, %arg0, %c0_i32_0 : i32, i32, i32
  }
  func.func @transform_2(%arg0: i32) -> (i32, i32, i32) {
    %c1_i32 = arith.constant 1 : i32
    %c0_i32 = arith.constant 0 : i32
    %c0_i32_0 = arith.constant 0 : i32
    return %c1_i32, %arg0, %c0_i32 : i32, i32, i32
  }
  func.func @transform_3(%arg0: i32) -> (i32, i32) {
    %c0_i32 = arith.constant 0 : i32
    %c0_i32_0 = arith.constant 0 : i32
    %c0_i32_1 = arith.constant 0 : i32
    return %c0_i32, %c0_i32_0 : i32, i32
  }
  func.func @transform_4(%arg0: i32) -> (i32, i32) {
    %c0_i32 = arith.constant 0 : i32
    %c0_i32_0 = arith.constant 0 : i32
    %c0_i32_1 = arith.constant 0 : i32
    return %c0_i32, %c0_i32_0 : i32, i32
  }
  func.func @transform_5(%arg0: i32) -> (i32, i32) {
    %c0_i32 = arith.constant 0 : i32
    %c0_i32_0 = arith.constant 0 : i32
    %c0_i32_1 = arith.constant 0 : i32
    return %c0_i32, %c0_i32_0 : i32, i32
  }
  func.func @transform_6(%arg0: i32) -> (i32, i32) {
    %c0_i32 = arith.constant 0 : i32
    %c0_i32_0 = arith.constant 0 : i32
    %c0_i32_1 = arith.constant 0 : i32
    return %c0_i32, %c0_i32_0 : i32, i32
  }
  func.func @transform_7(%arg0: i32) -> (i32, i32) {
    %c0_i32 = arith.constant 0 : i32
    %c0_i32_0 = arith.constant 0 : i32
    %c0_i32_1 = arith.constant 0 : i32
    return %c0_i32, %c0_i32_0 : i32, i32
  }
  func.func @transform_8(%arg0: i32) -> (i32, i32) {
    %c0_i32 = arith.constant 0 : i32
    %c0_i32_0 = arith.constant 0 : i32
    return %arg0, %c0_i32 : i32, i32
  }
  func.func @transform_9(%arg0: i32) -> (i32, i32) {
    %c0_i32 = arith.constant 0 : i32
    %c0_i32_0 = arith.constant 0 : i32
    return %arg0, %c0_i32 : i32, i32
  }
}

module attributes {stable_mosaic.version = 14 : i64} {
  func.func @body(%arg0: i32, %arg1: memref<2000x64xf32, #tpu.memory_space<vmem>>, %arg2: memref<1x2000x64xf32, #tpu.memory_space<vmem>>, %arg3: memref<1x2000x64xf32, #tpu.memory_space<vmem>>, %arg4: memref<64x64xf32, #tpu.memory_space<vmem>>, %arg5: memref<64x64xf32, #tpu.memory_space<vmem>>, %arg6: memref<1x64xf32, #tpu.memory_space<vmem>>, %arg7: memref<2000x64xf32, #tpu.memory_space<vmem>>) attributes {dimension_semantics = [#tpu.dimension_semantics<arbitrary>], iteration_bounds = array<i64: 5>, scalar_prefetch = 0 : i64, scratch_operands = 0 : i64, tpu.core_type = #tpu.core_type<tc>, window_params = [{transform_indices = @transform_0, window_bounds = array<i64: 2000, 64>}, {transform_indices = @transform_1, window_bounds = array<i64: 1, 2000, 64>}, {transform_indices = @transform_2, window_bounds = array<i64: 1, 2000, 64>}, {pipeline_mode = #tpu.pipeline_mode<synchronous>, transform_indices = @transform_3, window_bounds = array<i64: 64, 64>}, {pipeline_mode = #tpu.pipeline_mode<synchronous>, transform_indices = @transform_4, window_bounds = array<i64: 64, 64>}, {pipeline_mode = #tpu.pipeline_mode<synchronous>, transform_indices = @transform_5, window_bounds = array<i64: 1, 64>}, {transform_indices = @transform_6, window_bounds = array<i64: 2000, 64>}]} {
    %get3A = arith.constant 0 : index
    %get3A_0 = arith.constant 0 : index
    %get3A_1 = vector.load %arg1[%get3A, %get3A_0] : memref<2000x64xf32, #tpu.memory_space<vmem>>, vector<2000x64xf32>
    %get3A_2 = arith.constant 0 : index
    %get3A_3 = arith.constant 0 : index
    %get3A_4 = vector.load %arg4[%get3A_2, %get3A_3] : memref<64x64xf32, #tpu.memory_space<vmem>>, vector<64x64xf32>
    %dot_general3A = arith.constant dense<0.000000e+00> : vector<2000x64xf32>
    %dot_general3A_5 = tpu.matmul %get3A_1, %get3A_4, %dot_general3A {dimension_numbers = #tpu.dot_dimension_numbers<[1], [0], [0], [1], [0, 0, 1, 1], [], []>, transpose_lhs_hint = false} : vector<2000x64xf32>, vector<64x64xf32>, vector<2000x64xf32> -> vector<2000x64xf32>
    %get3A_6 = arith.constant 0 : index
    %get3A_7 = arith.constant 0 : index
    %get3A_8 = arith.constant 0 : index
    %get3A_9 = vector.load %arg2[%get3A_6, %get3A_7, %get3A_8] : memref<1x2000x64xf32, #tpu.memory_space<vmem>>, vector<1x2000x64xf32>
    %get3A_10 = vector.shape_cast %get3A_9 : vector<1x2000x64xf32> to vector<2000x64xf32>
    %get3A_11 = arith.constant 0 : index
    %get3A_12 = arith.constant 0 : index
    %get3A_13 = arith.constant 0 : index
    %get3A_14 = vector.load %arg3[%get3A_11, %get3A_12, %get3A_13] : memref<1x2000x64xf32, #tpu.memory_space<vmem>>, vector<1x2000x64xf32>
    %get3A_15 = vector.shape_cast %get3A_14 : vector<1x2000x64xf32> to vector<2000x64xf32>
    %add3A = arith.addf %get3A_10, %get3A_15 : vector<2000x64xf32>
    %get3A_16 = arith.constant 0 : index
    %get3A_17 = arith.constant 0 : index
    %get3A_18 = vector.load %arg5[%get3A_16, %get3A_17] : memref<64x64xf32, #tpu.memory_space<vmem>>, vector<64x64xf32>
    %dot_general3A_19 = arith.constant dense<0.000000e+00> : vector<2000x64xf32>
    %dot_general3A_20 = tpu.matmul %add3A, %get3A_18, %dot_general3A_19 {dimension_numbers = #tpu.dot_dimension_numbers<[1], [0], [0], [1], [0, 0, 1, 1], [], []>, transpose_lhs_hint = false} : vector<2000x64xf32>, vector<64x64xf32>, vector<2000x64xf32> -> vector<2000x64xf32>
    %add3A_21 = arith.addf %dot_general3A_5, %dot_general3A_20 : vector<2000x64xf32>
    %get3A_22 = arith.constant 0 : index
    %get3A_23 = arith.constant 0 : index
    %get3A_24 = vector.load %arg6[%get3A_22, %get3A_23] : memref<1x64xf32, #tpu.memory_space<vmem>>, vector<1x64xf32>
    %add3A_25 = vector.broadcast %get3A_24 : vector<1x64xf32> to vector<2000x64xf32>
    %add3A_26 = arith.addf %add3A_21, %add3A_25 : vector<2000x64xf32>
    %max3A = arith.constant 0.000000e+00 : f32
    %max3A_27 = vector.broadcast %max3A : f32 to vector<2000x64xf32>
    %max3A_28 = arith.maximumf %add3A_26, %max3A_27 : vector<2000x64xf32>
    %mul3A = arith.constant 0.999994993 : f32
    %mul3A_29 = vector.broadcast %mul3A : f32 to vector<2000x64xf32>
    %mul3A_30 = arith.mulf %mul3A_29, %max3A_28 : vector<2000x64xf32>
    %swap3A = arith.constant 0 : index
    %swap3A_31 = arith.constant 0 : index
    %swap3A_32 = vector.load %arg7[%swap3A, %swap3A_31] : memref<2000x64xf32, #tpu.memory_space<vmem>>, vector<2000x64xf32>
    tpu.vector_store %arg7[%swap3A, %swap3A_31], %mul3A_30 {strides = array<i32>} : memref<2000x64xf32, #tpu.memory_space<vmem>>, vector<2000x64xf32>,
    return
  }
  func.func @transform_0(%arg0: i32) -> (i32, i32) {
    %c0_i32 = arith.constant 0 : i32
    %c0_i32_0 = arith.constant 0 : i32
    return %arg0, %c0_i32 : i32, i32
  }
  func.func @transform_1(%arg0: i32) -> (i32, i32, i32) {
    %c0_i32 = arith.constant 0 : i32
    %c0_i32_0 = arith.constant 0 : i32
    %c0_i32_1 = arith.constant 0 : i32
    return %c0_i32, %arg0, %c0_i32_0 : i32, i32, i32
  }
  func.func @transform_2(%arg0: i32) -> (i32, i32, i32) {
    %c1_i32 = arith.constant 1 : i32
    %c0_i32 = arith.constant 0 : i32
    %c0_i32_0 = arith.constant 0 : i32
    return %c1_i32, %arg0, %c0_i32 : i32, i32, i32
  }
  func.func @transform_3(%arg0: i32) -> (i32, i32) {
    %c0_i32 = arith.constant 0 : i32
    %c0_i32_0 = arith.constant 0 : i32
    %c0_i32_1 = arith.constant 0 : i32
    return %c0_i32, %c0_i32_0 : i32, i32
  }
  func.func @transform_4(%arg0: i32) -> (i32, i32) {
    %c0_i32 = arith.constant 0 : i32
    %c0_i32_0 = arith.constant 0 : i32
    %c0_i32_1 = arith.constant 0 : i32
    return %c0_i32, %c0_i32_0 : i32, i32
  }
  func.func @transform_5(%arg0: i32) -> (i32, i32) {
    %c0_i32 = arith.constant 0 : i32
    %c0_i32_0 = arith.constant 0 : i32
    %c0_i32_1 = arith.constant 0 : i32
    return %c0_i32, %c0_i32_0 : i32, i32
  }
  func.func @transform_6(%arg0: i32) -> (i32, i32) {
    %c0_i32 = arith.constant 0 : i32
    %c0_i32_0 = arith.constant 0 : i32
    return %arg0, %c0_i32 : i32, i32
  }
}

module attributes {stable_mosaic.version = 14 : i64} {
  func.func @body(%arg0: i32, %arg1: memref<1x1x2000xi32, #tpu.memory_space<vmem>>, %arg2: memref<2000x64xf32, #tpu.memory_space<vmem>>, %arg3: memref<64x64xf32, #tpu.memory_space<vmem>>, %arg4: memref<1x64xf32, #tpu.memory_space<vmem>>, %arg5: memref<64x1xf32, #tpu.memory_space<vmem>>, %arg6: memref<1x1xf32, #tpu.memory_space<vmem>>, %arg7: memref<64x1xf32, #tpu.memory_space<vmem>>, %arg8: memref<64x64xf32, #tpu.memory_space<vmem>>) attributes {dimension_semantics = [#tpu.dimension_semantics<arbitrary>], iteration_bounds = array<i64: 5>, scalar_prefetch = 0 : i64, scratch_operands = 1 : i64, tpu.core_type = #tpu.core_type<tc>, window_params = [{transform_indices = @transform_0, window_bounds = array<i64: 1, 1, 2000>}, {transform_indices = @transform_1, window_bounds = array<i64: 2000, 64>}, {pipeline_mode = #tpu.pipeline_mode<synchronous>, transform_indices = @transform_2, window_bounds = array<i64: 64, 64>}, {pipeline_mode = #tpu.pipeline_mode<synchronous>, transform_indices = @transform_3, window_bounds = array<i64: 1, 64>}, {pipeline_mode = #tpu.pipeline_mode<synchronous>, transform_indices = @transform_4, window_bounds = array<i64: 64, 1>}, {pipeline_mode = #tpu.pipeline_mode<synchronous>, transform_indices = @transform_5, window_bounds = array<i64: 1, 1>}, {pipeline_mode = #tpu.pipeline_mode<synchronous>, transform_indices = @transform_6, window_bounds = array<i64: 64, 1>}]} {
    %eq3A = arith.constant 0 : i32
    %eq3A_0 = arith.cmpi eq, %arg0, %eq3A : i32
    %convert_element_type3A = arith.extui %eq3A_0 : i1 to i32
    %cond3A = arith.constant 0 : i32
    %cond3A_1 = arith.cmpi ne, %convert_element_type3A, %cond3A : i32
    scf.if %cond3A_1 {
      %broadcast_in_dim3A_24 = arith.constant 0.000000e+00 : f32
      %broadcast_in_dim3A_25 = vector.broadcast %broadcast_in_dim3A_24 : f32 to vector<64x64xf32>
      %swap3A_26 = arith.constant 0 : index
      %swap3A_27 = arith.constant 0 : index
      %swap3A_28 = vector.load %arg8[%swap3A_26, %swap3A_27] : memref<64x64xf32, #tpu.memory_space<vmem>>, vector<64x64xf32>
      tpu.vector_store %arg8[%swap3A_26, %swap3A_27], %broadcast_in_dim3A_25 {strides = array<i32>} : memref<64x64xf32, #tpu.memory_space<vmem>>, vector<64x64xf32>,
    } else {
    }
    %get3A = arith.constant 0 : index
    %get3A_2 = arith.constant 0 : index
    %get3A_3 = arith.constant 0 : index
    %get3A_4 = vector.load %arg1[%get3A, %get3A_2, %get3A_3] : memref<1x1x2000xi32, #tpu.memory_space<vmem>>, vector<1x1x2000xi32>
    %get3A_5 = vector.shape_cast %get3A_4 : vector<1x1x2000xi32> to vector<2000xi32>
    %broadcast_in_dim3A = vector.shape_cast %get3A_5 : vector<2000xi32> to vector<2000x1xi32>
    %iota3A = tpu.iota {dimensions = array<i32: 1>} : vector<2000x64xi32>
    %eq3A_6 = vector.broadcast %broadcast_in_dim3A : vector<2000x1xi32> to vector<2000x64xi32>
    %eq3A_7 = arith.cmpi eq, %eq3A_6, %iota3A : vector<2000x64xi32>
    %convert_element_type3A_8 = arith.extui %eq3A_7 : vector<2000x64xi1> to vector<2000x64xi32>
    %convert_element_type3A_9 = arith.sitofp %convert_element_type3A_8 : vector<2000x64xi32> to vector<2000x64xf32>
    %get3A_10 = arith.constant 0 : index
    %get3A_11 = arith.constant 0 : index
    %get3A_12 = vector.load %arg8[%get3A_10, %get3A_11] : memref<64x64xf32, #tpu.memory_space<vmem>>, vector<64x64xf32>
    %get3A_13 = arith.constant 0 : index
    %get3A_14 = arith.constant 0 : index
    %get3A_15 = vector.load %arg2[%get3A_13, %get3A_14] : memref<2000x64xf32, #tpu.memory_space<vmem>>, vector<2000x64xf32>
    %dot_general3A = arith.constant dense<0.000000e+00> : vector<64x64xf32>
    %dot_general3A_16 = tpu.matmul %convert_element_type3A_9, %get3A_15, %dot_general3A {dimension_numbers = #tpu.dot_dimension_numbers<[0], [0], [1], [1], [0, 1, 1, 1], [], []>, transpose_lhs_hint = false} : vector<2000x64xf32>, vector<2000x64xf32>, vector<64x64xf32> -> vector<64x64xf32>
    %add3A = arith.addf %get3A_12, %dot_general3A_16 : vector<64x64xf32>
    %swap3A = arith.constant 0 : index
    %swap3A_17 = arith.constant 0 : index
    %swap3A_18 = vector.load %arg8[%swap3A, %swap3A_17] : memref<64x64xf32, #tpu.memory_space<vmem>>, vector<64x64xf32>
    tpu.vector_store %arg8[%swap3A, %swap3A_17], %add3A {strides = array<i32>} : memref<64x64xf32, #tpu.memory_space<vmem>>, vector<64x64xf32>,
    %eq3A_19 = arith.constant 4 : i32
    %eq3A_20 = arith.cmpi eq, %arg0, %eq3A_19 : i32
    %convert_element_type3A_21 = arith.extui %eq3A_20 : i1 to i32
    %cond3A_22 = arith.constant 0 : i32
    %cond3A_23 = arith.cmpi ne, %convert_element_type3A_21, %cond3A_22 : i32
    scf.if %cond3A_23 {
      %get3A_24 = arith.constant 0 : index
      %get3A_25 = arith.constant 0 : index
      %get3A_26 = vector.load %arg8[%get3A_24, %get3A_25] : memref<64x64xf32, #tpu.memory_space<vmem>>, vector<64x64xf32>
      %get3A_27 = arith.constant 0 : index
      %get3A_28 = arith.constant 0 : index
      %get3A_29 = vector.load %arg3[%get3A_27, %get3A_28] : memref<64x64xf32, #tpu.memory_space<vmem>>, vector<64x64xf32>
      %dot_general3A_30 = arith.constant dense<0.000000e+00> : vector<64x64xf32>
      %dot_general3A_31 = tpu.matmul %get3A_26, %get3A_29, %dot_general3A_30 {dimension_numbers = #tpu.dot_dimension_numbers<[1], [0], [0], [1], [0, 0, 1, 1], [], []>, transpose_lhs_hint = false} : vector<64x64xf32>, vector<64x64xf32>, vector<64x64xf32> -> vector<64x64xf32>
      %get3A_32 = arith.constant 0 : index
      %get3A_33 = arith.constant 0 : index
      %get3A_34 = vector.load %arg4[%get3A_32, %get3A_33] : memref<1x64xf32, #tpu.memory_space<vmem>>, vector<1x64xf32>
      %add3A_35 = vector.broadcast %get3A_34 : vector<1x64xf32> to vector<64x64xf32>
      %add3A_36 = arith.addf %dot_general3A_31, %add3A_35 : vector<64x64xf32>
      %max3A = arith.constant 0.000000e+00 : f32
      %max3A_37 = vector.broadcast %max3A : f32 to vector<64x64xf32>
      %max3A_38 = arith.maximumf %add3A_36, %max3A_37 : vector<64x64xf32>
      %get3A_39 = arith.constant 0 : index
      %get3A_40 = arith.constant 0 : index
      %get3A_41 = vector.load %arg5[%get3A_39, %get3A_40] : memref<64x1xf32, #tpu.memory_space<vmem>>, vector<64x1xf32>
      %dot_general3A_42 = arith.constant dense<0.000000e+00> : vector<64x1xf32>
      %dot_general3A_43 = tpu.matmul %max3A_38, %get3A_41, %dot_general3A_42 {dimension_numbers = #tpu.dot_dimension_numbers<[1], [0], [0], [1], [0, 0, 1, 1], [], []>, transpose_lhs_hint = false} : vector<64x64xf32>, vector<64x1xf32>, vector<64x1xf32> -> vector<64x1xf32>
      %get3A_44 = arith.constant 0 : index
      %get3A_45 = arith.constant 0 : index
      %get3A_46 = vector.load %arg6[%get3A_44, %get3A_45] : memref<1x1xf32, #tpu.memory_space<vmem>>, vector<1x1xf32>
      %add3A_47 = vector.broadcast %get3A_46 : vector<1x1xf32> to vector<64x1xf32>
      %add3A_48 = arith.addf %dot_general3A_43, %add3A_47 : vector<64x1xf32>
      %swap3A_49 = arith.constant 0 : index
      %swap3A_50 = arith.constant 0 : index
      %swap3A_51 = vector.load %arg7[%swap3A_49, %swap3A_50] : memref<64x1xf32, #tpu.memory_space<vmem>>, vector<64x1xf32>
      tpu.vector_store %arg7[%swap3A_49, %swap3A_50], %add3A_48 {strides = array<i32>} : memref<64x1xf32, #tpu.memory_space<vmem>>, vector<64x1xf32>,
    } else {
    }
    return
  }
  func.func @transform_0(%arg0: i32) -> (i32, i32, i32) {
    %c0_i32 = arith.constant 0 : i32
    %c0_i32_0 = arith.constant 0 : i32
    %c0_i32_1 = arith.constant 0 : i32
    return %arg0, %c0_i32, %c0_i32_0 : i32, i32, i32
  }
  func.func @transform_1(%arg0: i32) -> (i32, i32) {
    %c0_i32 = arith.constant 0 : i32
    %c0_i32_0 = arith.constant 0 : i32
    return %arg0, %c0_i32 : i32, i32
  }
  func.func @transform_2(%arg0: i32) -> (i32, i32) {
    %c0_i32 = arith.constant 0 : i32
    %c0_i32_0 = arith.constant 0 : i32
    %c0_i32_1 = arith.constant 0 : i32
    return %c0_i32, %c0_i32_0 : i32, i32
  }
  func.func @transform_3(%arg0: i32) -> (i32, i32) {
    %c0_i32 = arith.constant 0 : i32
    %c0_i32_0 = arith.constant 0 : i32
    %c0_i32_1 = arith.constant 0 : i32
    return %c0_i32, %c0_i32_0 : i32, i32
  }
  func.func @transform_4(%arg0: i32) -> (i32, i32) {
    %c0_i32 = arith.constant 0 : i32
    %c0_i32_0 = arith.constant 0 : i32
    %c0_i32_1 = arith.constant 0 : i32
    return %c0_i32, %c0_i32_0 : i32, i32
  }
  func.func @transform_5(%arg0: i32) -> (i32, i32) {
    %c0_i32 = arith.constant 0 : i32
    %c0_i32_0 = arith.constant 0 : i32
    %c0_i32_1 = arith.constant 0 : i32
    return %c0_i32, %c0_i32_0 : i32, i32
  }
  func.func @transform_6(%arg0: i32) -> (i32, i32) {
    %c0_i32 = arith.constant 0 : i32
    %c0_i32_0 = arith.constant 0 : i32
    %c0_i32_1 = arith.constant 0 : i32
    return %c0_i32, %c0_i32_0 : i32, i32
  }
}

</mosaic_0001>

<sc_bundles>
// kernel: kernel.11.cloned.1.call-start
scs
__scs_entry_jumppad:
0x0: {  	(pc) =	sbr.rel $0x88, $3  }
0x1: {  	(tag) =	ssettag $0x0;
	lr =	simm.s32 $0x1  }
0x2: {  	[smem:$0x3F89] =	sst lr;
	_ =	strace $0xD0000000  }
0x3: {  	_ = 	snop  }
0x4: {  	_ = 	snop  }
0x5: {  	_ = 	snop  }
0x6: {  	_ = 	snop  }
0x7: {  	_ = 	snop  }
__scs_overlays_trampoline_lowered:
0x8: {  	[smem:$0x3F98] =	sst s0  }
0x9: {  	[smem:$0x3F99] =	sst s1  }
0xa: {  	[smem:$0x3F9A] =	sst s2  }
0xb: {  	[smem:$0x3F9B] =	sst s3  }
0xc: {  	[smem:$0x3F9C] =	sst s4  }
0xd: {  	[smem:$0x3F9D] =	sst s5  }
0xe: {  	[smem:$0x3F9E] =	sst s6  }
0xf: {  	[smem:$0x3F9F] =	sst s7  }
0x10: {  	[smem:$0x3FA0] =	sst s8  }
0x11: {  	[smem:$0x3FA1] =	sst s9;
	s0 =	simm.s32 @!p0 $0x0  }
0x12: {  	s1 =	sld [smem:$0x3F87];
	s0 =	simm.s32 @p0 $0x1  }
0x13: {  	[smem:$0x3FA2] =	sst s0;
	s0 =	simm.s32 @!p1 $0x0  }
0x14: {  	s2 =	sld [smem:$0x3F86];
	s0 =	simm.s32 @p1 $0x1  }
0x15: {  	[smem:$0x3FA3] =	sst s0;
	s0 =	simm.s32 @!p2 $0x0  }
0x16: {  	s3 =	sld [smem:$0x3FDB];
	s0 =	simm.s32 @p2 $0x1  }
0x17: {  	s4 =	simm.s32 $0x1BF5;
	[smem:$0x3FA5] =	sst s0  }
0x18: {  	s0 =	sld [smem:$0x3F88];
	_ =	swait.ge [sflag:s4], $0x0  }
0x19: {  	s7 =	sld [smem:$0x3F89]  }
0x1a: {  	s8 =	sadd.s32 $0xFFFFE003, lr  }
0x1b: {  	s9 =	sadd.s32 $0xFFFFFEF7, lr;
	s5 =	simm.s32 $0xFFFFFFFF;
	p2 =	slt.u32 s8, $0xFFFFF086  }
0x1c: {  	p1 =	slt.u32 s9, $0xF7A;
	s5 =	simm.s32 @!p2 $0x0  }
0x1d: {  	s5 =	simm.s32 @p1 $0x1;
	p0 =	seq.s32 s7, s2  }
0x1e: {  	s7 =	smul.u32 @!p0 $0xF7A, s2;
	p2 =	seq.s32 @!p0 s5, $0x0  }
0x1f: {  	s9 =	smul.u32 $0xF7A, s1;
	s8 =	simm.s32 @!p0 $0x1BF5;
	p2 =	por !p2, p0  }
0x20: {  	[sflag:s8] =	ssyncset.s32 @!p0 $0xFFFFF086;
	s6 =	sadd.s32 @!p0 s3, s7;
	s7 =	simm.s32 @!p0 $0x108  }
0x21: {  	s3 =	sadd.s32 s3, s9;
	s6 =	sadd.s32 @!p0 $0x88, s6;
	s7 =	simm.s32 @p2 $0x1082  }
0x22: {  	[simem:s7], [sflag:s8] =	dma.local @!p0 [hbm:s6], $0xF7A  }
0x23: {  	s9 =	sor.u32 $0xD0000000, s2;
	s6 =	simm.s32 $0x108;
	_ =	swait.ge @!p0 [sflag:s8], $0x0  }
0x24: {  	s3 =	sadd.s32 $0x88, s3;
	s6 =	simm.s32 @!p1 $0x1082;
	[sflag:s4] =	ssyncset.s32 $0xFFFFF086  }
0x25: {  	[simem:s6], [sflag:s4] =	dma.local [hbm:s3], $0xF7A  }
0x26: {  	[smem:$0x3F89] =	sst s1;
	(tag) =	ssettag s2;
	_ =	strace s9  }
0x27: {  	s1 =	sld [smem:$0x3F99]  }
0x28: {  	s2 =	sld [smem:$0x3F9A]  }
0x29: {  	s4 =	sld [smem:$0x3F9C]  }
0x2a: {  	p0 =	seq.s32 s5, $0x0;
	s5 =	sld [smem:$0x3F9D]  }
0x2b: {  	s6 =	sld [smem:$0x3F9E]  }
0x2c: {  	s7 =	sld [smem:$0x3F9F]  }
0x2d: {  	s3 =	simm.s32 $0x108;
	s8 =	sld [smem:$0x3FA0]  }
0x2e: {  	s3 =	simm.s32 @!p0 $0x1082;
	s9 =	sld [smem:$0x3FA1]  }
0x2f: {  	lr =	sadd.s32 s0, s3;
	s0 =	sld [smem:$0x3F98]  }
0x30: {  	s3 =	sld [smem:$0x3F9B]  }
0x31: {  	[smem:$0x3FA4] =	sst s10  }
0x32: {  	s10 =	sld [smem:$0x3FA2];
	_ =	sdelay $0x3  }
0x33: {  	p0 =	seq.s32 s10, $0x1;
	s10 =	sld [smem:$0x3FA4];
	_ =	sdelay $0x3  }
0x34: {  	[smem:$0x3FA4] =	sst s10  }
0x35: {  	s10 =	sld [smem:$0x3FA3];
	_ =	sdelay $0x3  }
0x36: {  	p1 =	seq.s32 s10, $0x1;
	s10 =	sld [smem:$0x3FA4];
	_ =	sdelay $0x3  }
0x37: {  	[smem:$0x3FA4] =	sst s10  }
0x38: {  	s10 =	sld [smem:$0x3FA5]  }
0x39: {  	_ = 	snop;
	(pc) =	sbr.ind lr, $3  }
0x3a: {  	_ = 	snop  }
0x3b: {  	_ = 	snop  }
0x3c: {  	p2 =	seq.s32 s10, $0x1;
	s10 =	sld [smem:$0x3FA4]  }
0x3d: {  	_ =	shalt  }
0x3e: {  	_ =	shalt  }
0x3f: {  	_ =	shalt  }
0x40: {  	_ =	shalt  }
0x41: {  	_ =	shalt  }
0x42: {  	_ =	shalt  }
0x43: {  	_ =	shalt  }
0x44: {  	_ =	shalt  }
0x45: {  	_ =	shalt  }
0x46: {  	_ =	shalt  }
0x47: {  	_ =	shalt  }
0x48: {  	_ =	shalt  }
0x49: {  	_ =	shalt  }
0x4a: {  	_ =	shalt  }
0x4b: {  	_ =	shalt  }
0x4c: {  	_ =	shalt  }
0x4d: {  	_ =	shalt  }
0x4e: {  	_ =	shalt  }
0x4f: {  	_ =	shalt  }
0x50: {  	_ =	shalt  }
0x51: {  	_ =	shalt  }
0x52: {  	_ =	shalt  }
0x53: {  	_ =	shalt  }
0x54: {  	_ =	shalt  }
0x55: {  	_ =	shalt  }
0x56: {  	_ =	shalt  }
0x57: {  	_ =	shalt  }
0x58: {  	_ =	shalt  }
0x59: {  	_ =	shalt  }
0x5a: {  	_ =	shalt  }
0x5b: {  	_ =	shalt  }
0x5c: {  	_ =	shalt  }
0x5d: {  	_ =	shalt  }
0x5e: {  	_ =	shalt  }
0x5f: {  	_ =	shalt  }
0x60: {  	_ =	shalt  }
0x61: {  	_ =	shalt  }
0x62: {  	_ =	shalt  }
0x63: {  	_ =	shalt  }
0x64: {  	_ =	shalt  }
0x65: {  	_ =	shalt  }
0x66: {  	_ =	shalt  }
0x67: {  	_ =	shalt  }
0x68: {  	_ =	shalt  }
0x69: {  	_ =	shalt  }
0x6a: {  	_ =	shalt  }
0x6b: {  	_ =	shalt  }
0x6c: {  	_ =	shalt  }
0x6d: {  	_ =	shalt  }
0x6e: {  	_ =	shalt  }
0x6f: {  	_ =	shalt  }
0x70: {  	_ =	shalt  }
0x71: {  	_ =	shalt  }
0x72: {  	_ =	shalt  }
0x73: {  	_ =	shalt  }
0x74: {  	_ =	shalt  }
0x75: {  	_ =	shalt  }
0x76: {  	_ =	shalt  }
0x77: {  	_ =	shalt  }
0x78: {  	_ =	shalt  }
0x79: {  	_ =	shalt  }
0x7a: {  	_ =	shalt  }
0x7b: {  	_ =	shalt  }
0x7c: {  	_ =	shalt  }
0x7d: {  	_ =	shalt  }
0x7e: {  	_ =	shalt  }
0x7f: {  	_ =	shalt  }
0x80: {  	_ =	shalt  }
0x81: {  	_ =	shalt  }
0x82: {  	_ =	shalt  }
0x83: {  	_ =	shalt  }
0x84: {  	_ =	shalt  }
0x85: {  	_ =	shalt  }
0x86: {  	_ =	shalt  }
0x87: {  	_ =	shalt  }
.Lfunc_end0:
.L_simem_size_0:
called_computation_lowered:
.L_overlay_start_0:
0x88: {  	s2 =	sld [smem:$0x3FD9]  }
0x89: {  	s3 =	sld [smem:$0x3FFE];
	_ =	sdelay $0x1  }
0x8a: {  	s1 =	srdreg.scid  }
0x8b: {  	s0 =	sand.u32 $0x1, s1  }
0x8c: {  	s16 =	sshll.u32 s0, $0xA;
	s2 =	sadd.s32 s3, s2  }
0x8d: {  	s2 =	sadd.s32 s2, s16  }
0x8e: {  	[smem:$0x3FB0] =	sst s2  }
0x8f: {  	_ = 	snop  }
0x90: {  	(tm) =	ssettm $0x1  }
0x91: {  	s17 =	sld [smem:$0x3FFB];
	_ =	sdelay $0x3  }
0x92: {  	_ =	strace s17  }
0x93: {  	s2 =	sld [smem:$0x3FFC];
	_ =	sdelay $0x3  }
0x94: {  	_ =	strace s2  }
0x95: {  	s2 =	sld [smem:$0x3FFD];
	_ =	sdelay $0x3  }
0x96: {  	_ =	strace s2  }
0x97: {  	_ =	strace $0x8FFFFFFF  }
0x98: {  	s18 =	sld [smem:$0x3FDB];
	_ =	sdelay $0x1  }
0x99: {  	s19 =	simm.s32 $_scs_section_size  }
0x9a: {  	s4 =	simm.s32 $_size__tile_overlayer_lowered;
	s5 =	simm.s32 $_tile_overlayer_lowered  }
0x9b: {  	s22 =	simm.s32 $0x1BFF;
	s21 =	sshll.u32 s5, $0x1;
	s2 =	sadd.s32 s19, s18  }
0x9c: {  	s6 =	simm.s32 $0x0;
	s20 =	sshll.u32 s4, $0x1;
	s4 =	sadd.s32 s21, s2  }
0x9d: {  	[timem:s6], [sflag:s22] =	dma.local [hbm:s4], s20  }
0x9e: {  	_ =	swait.ge [sflag:s22], s20  }
0x9f: {  	s3 =	ssub.s32 $0x0, s20;
	[sflag:s22] =	ssyncset.done $0x0  }
0xa0: {  	[sflag:s22] =	ssyncadd.s32 s3;
	_ =	sdelay $0x1  }
0xa1: {  	s23 =	simm.s32 $0x1B8B  }
0xa2: {  	_ =	swait.ge [sflag:s23], $0x1  }
0xa3: {  	[sflag:s23] =	ssyncset.done $0x0  }
0xa4: {  	s25 =	simm.s32 $0x1B8E;
	s24 =	sld [smem:$0x3FFE];
	[sflag:s23] =	ssyncadd.s32 $0xFFFFFFFF  }
0xa5: {  	s26 =	simm.s32 $execute0_lowered;
	[smem:$0x3FD2] =	sst s25  }
0xa6: {  	s4 =	sshll.u32 s26, $0x1;
	_ =	strace $0x80000046;
	[dreg:$0x1] =	wrdreg $0xFFFFFFFF  }
0xa7: {  	s28 =	simm.s32 $_size_execute0_lowered;
	s2 =	sadd.s32 s2, s4;
	[dreg:$0x0] =	wrdreg $0x0  }
0xa8: {  	s4 =	sshll.u32 s28, $0x1;
	[dreg:$0x2] =	wrdreg s2  }
0xa9: {  	[dreg:$0x3] =	wrdreg s4  }
0xaa: {  	[dreg:$0x4] =	wrdreg $0xC0  }
0xab: {  	_ =	task [dreg:s6], $0x5FFFF  }
0xac: {  	[dreg:$0x1] =	wrdreg $0xFFFFFFFF  }
0xad: {  	[dreg:$0x0] =	wrdreg $0x60  }
0xae: {  	[dreg:$0x2] =	wrdreg s24  }
0xaf: {  	[dreg:$0x3] =	wrdreg $0x79000  }
0xb0: {  	[dreg:$0x4] =	wrdreg $0x9  }
0xb1: {  	_ =	task.clear_ibuf [dreg:s6], $0x5FFFF;
	_ =	strace $0x90000046  }
0xb2: {  	s29 =	simm.s32 $0x9;
	_ =	strace $0x80000048  }
0xb3: {  	_ =	swait.ge [sflag:s29], $0x1  }
0xb4: {  	[sflag:s29] =	ssyncadd.s32 $0xFFFFFFFF  }
0xb5: {  	_ =	strace $0x90000048  }
0xb6: {  	_ =	sfence  }
0xb7: {  	s30 =	sld [smem:$0x0];
	_ =	sdelay $0x2  }
0xb8: {  	s31 =	sshll.u32 s1, $0xD;
	s1 =	sshrl.u32 s1, $0x2  }
0xb9: {  	s3 =	sand.u32 $0x4000, s31;
	s1 =	sadd.s32 s1, s30  }
0xba: {  	s0 =	sor.u32 s3, s0;
	s1 =	sshll.u32 s1, $0x11  }
0xbb: {  	s0 =	sor.u32 s1, s0  }
0xbc: {  	s0 =	sadd.s32 $0x8F2B, s0  }
0xbd: {  	[sflag:s0] =	ssyncadd.remote.s32 $0x1  }
0xbe: {  	_ =	sfence.sel $0xFFFF  }
0xbf: {  	[dreg:$0x0] =	wrdreg $0xFFFFFFFF;
	(pc) =	sbr.abs _section_cstart, $3  }
0xc0: {  	[dreg:$0x1] =	wrdreg $0xFFFFFFFF  }
0xc1: {  	_ =	task.clear_ibuf [dreg:s6], $0x2FFFF;
	_ =	strace $0x9FFFFFFF  }
0xc2: {  	(tm) =	ssettm $0x7FFFFFFF  }
0xc3: {  	_ =	shalt  }
tec
execute0_lowered:
.L_overlay_start_1:
0x0: {  	(tag) =	ssettag $0x1  }
0x1: {  	s5 =	rddreg [dreg:$0x0]  }
0x2: {  	s1 =	rddreg [dreg:$0x1]  }
0x3: {  	s0 =	rddreg [dreg:$0x2];
	s2 =	simm.s32 $0x0;
	s3 =	srdreg.scid  }
0x4: {  	s13 =	simm.s32 $0x2;
	s14 =	simm.s32 $0x80;
	s15 =	simm.s32 $0x50  }
0x5: {  	s16 =	simm.s32 $0x100;
	s17 =	simm.s32 $0x2900;
	s18 =	simm.s32 $0x1  }
0x6: {  	[smem:$0x7FF] =	sst s2;
	s8 =	sand.u32 $0x1, s3;
	s3 =	sadd.s32 $0x19C00, s5  }
0x7: {  	s4 =	sadd.s32 $0x4FBC00, s5;
	s6 =	sadd.s32 $0xFE00, s5;
	s9 =	smul.u32 $0x27100, s8  }
0x8: {  	s7 =	sadd.s32 $0x6000, s5;
	_ =	strace $0x80000047;
	s10 =	ssub.s32 $0x2, s8  }
0x9: {  	s30 =	sshrl.u32 s10, $0x1;
	s11 =	sadd.s32 s9, s5;
	s5 =	stileid.u32  }
0xa: {  	s8 =	sshll.u32 s8, $0x4;
	s10 =	ssub.s32 s10, s30;
	s12 =	smul.u32 $0xA000, s5  }
0xb: {  	s31 =	sor.u32 s5, s8;
	p0 =	slt.u32 s5, $0xD;
	s8 =	simm.s32 $0x8  }
0xc: {  	s19 =	sadd.s32 $0x68000, s11;
	s10 =	smax.u32 s10, $0x1;
	s20 =	smul.u32 $0x500, s5  }
0xd: {  	s8 =	simm.s32 @!p0 $0x7;
	s9 =	smul.u32 $0x2710, s31;
	s12 =	sshrl.u32 s12, $0x2  }
0xe: {  	v0 =	vimm.f32 $0.0e+00;
	s19 =	sadd.s32 s19, s20;
	s11 =	sadd.s32 s12, s1;
	s12 =	simm.s32 $0x5100  }
.LBB2_1:
0xf: {  	s21 =	simm.s32 $0x200;
	s20 =	simm.s32 $0x0  }
.LBB2_2:
0x10: {  	p0 =	sne.s32 s21, $0x9E00;
	[tilespmem:s20+$0x5130] =	vst v0;
	s22 =	smov.u32 s21;
	s21 =	sadd.s32 $0x200, s21  }
.Ltmp0:
0x11: {  	[tilespmem:s20+$0x5120] =	vst v0;
	(pc) =	sbr.rel @p0 .LBB2_2-.Ltmp0, $3  }
0x12: {  	[tilespmem:s20+$0x5100] =	vst v0  }
0x13: {  	[tilespmem:s20+$0x5110] =	vst v0;
	_ =	sdelay $0x1  }
0x14: {  	s20 =	sshra.s32 s22, $0x2  }
0x15: {  	[tilespmem:s20+$0x5130] =	vst v0  }
0x16: {  	[tilespmem:s20+$0x5120] =	vst v0;
	p0 =	sne.s32 s8, $0x1  }
.Ltmp1:
0x17: {  	[tilespmem:s20+$0x5100] =	vst v0;
	(pc) =	sbr.rel @!p0 .LBB2_5-.Ltmp1, $4  }
0x18: {  	[tilespmem:s20+$0x5110] =	vst v0  }
0x19: {  	[spmem:s11] =	stream.linear.scatter [tilespmem:s12], [sflag:$0x2], $0x2800, $0x38;
	[tilespmem:$0x11540] =	vst v63  }
0x1a: {  	_ =	swait.ge [sflag:s13], $0x2800  }
0x1b: {  	s20 =	sadd.s32 $0xFFFFFFFF, s8;
	s21 =	smov.u32 s11;
	[sflag:s13] =	ssyncset.done $0x0  }
.LBB2_4:
0x1c: {  	p1 =	sne.s32 s20, $0x1;
	[sflag:s13] =	ssyncadd.s32 $0xFFFFD800;
	s21 =	sadd.s32 $0x28000, s21  }
.Ltmp2:
0x1d: {  	s20 =	sadd.s32 $0xFFFFFFFF, s20;
	(pc) =	sbr.rel @p1 .LBB2_4-.Ltmp2, $4  }
0x1e: {  	_ = 	snop  }
0x1f: {  	[spmem:s21] =	stream.linear.scatter [tilespmem:s12], [sflag:$0x2], $0x2800, $0x38;
	[tilespmem:$0x11540] =	vst v63  }
0x20: {  	_ =	swait.ge [sflag:s13], $0x2800  }
0x21: {  	[sflag:s13] =	ssyncset.done $0x0  }
.LBB2_5:
0x22: {  	[sflag:s13] =	ssyncadd.s32 $0xFFFFD800  }
0x23: {  	s20 =	simm.s32 $0x0;
	s21 =	simm.s32 $0x0;
	[bflag:$0x0] =	sbarrier.arrive $0xFFFF  }
.LBB2_6:
0x24: {  	s22 =	smul.u32 $0x50, s21;
	_ =	sdelay $0x1  }
0x25: {  	s22 =	sadd.s32 s9, s22  }
0x26: {  	s23 =	sshrl.u32 s22, $0x3  }
0x27: {  	s24 =	sadd.s32 s6, s23  }
0x28: {  	[tilespmem:s20], [sflag:$0x2] =	stream.linear.gather [hbm4b:s24+s20], $0x50, $0x38;
	[tilespmem:$0x11540] =	vst v63  }
0x29: {  	_ =	swait.ge [sflag:s13], $0x50  }
0x2a: {  	[sflag:s13] =	ssyncset.done $0x0  }
0x2b: {  	s23 =	sadd.s32 s7, s23;
	[sflag:s13] =	ssyncadd.s32 $0xFFFFFFB0  }
0x2c: {  	[tilespmem:s14], [sflag:$0x2] =	stream.linear.gather [hbm4b:s23+s20], $0x50, $0x38;
	[tilespmem:$0x11540] =	vst v63  }
0x2d: {  	_ =	swait.ge [sflag:s13], $0x50  }
0x2e: {  	[sflag:s13] =	ssyncset.done $0x0  }
0x2f: {  	s22 =	sshll.u32 s22, $0x4;
	[sflag:s13] =	ssyncadd.s32 $0xFFFFFFB0  }
0x30: {  	[tilespmem:s16], [sflag:$0x1] =	stream.indirect.gather [hbm4b:s3+s15], $0x80, s20, s15, $0xb8;
	[tilespmem:$0x11540] =	vst v63  }
0x31: {  	s22 =	sadd.s32 s4, s22  }
0x32: {  	[tilespmem:s17], [sflag:$0x2] =	stream.linear.gather [hbm4b:s22+s20], $0x2800, $0x38;
	[tilespmem:$0x11540] =	vst v63  }
0x33: {  	_ =	swait.ge [sflag:s13], $0x2800  }
0x34: {  	[sflag:s13] =	ssyncset.done $0x0  }
0x35: {  	[sflag:s13] =	ssyncadd.s32 $0xFFFFD800  }
0x36: {  	_ =	swait.ge [sflag:s18], $0x2800  }
0x37: {  	[sflag:s18] =	ssyncset.done $0x0  }
0x38: {  	s22 =	simm.s32 $0x0;
	[sflag:s18] =	ssyncadd.s32 $0xFFFFD800  }
0x39: {  	v3 =	vld [tilespmem:s22+$0x100]  }
0x3a: {  	v4 =	vld [tilespmem:s22+$0x110]  }
0x3b: {  	v2 =	vld [tilespmem:s22+$0x120]  }
0x3c: {  	v1 =	vld [tilespmem:s22+$0x130]  }
0x3d: {  	v5 =	vld [tilespmem:s22+$0x2900]  }
0x3e: {  	v7 =	vld [tilespmem:s22+$0x2910]  }
0x3f: {  	s23 =	simm.s32 $0x200;
	v6 =	vld [tilespmem:s22+$0x2920]  }
.LBB2_7:
0x40: {  	p1 =	sne.s32 s23, $0x9E00;
	v8 =	vld [tilespmem:s22+$0x2930]  }
0x41: {  	s24 =	sshra.s32 s23, $0x2  }
0x42: {  	v5 =	vadd.f32 v5, v3;
	v3 =	vld [tilespmem:s24+$0x100]  }
0x43: {  	v7 =	vadd.f32 v7, v4;
	v4 =	vld [tilespmem:s24+$0x110]  }
.Ltmp3:
0x44: {  	v5 =	vmax.f32 v5, $0.0e+00;
	v6 =	vadd.f32 v6, v2;
	v2 =	vld [tilespmem:s24+$0x120];
	(pc) =	sbr.rel @p1 .LBB2_7-.Ltmp3, $4  }
0x45: {  	[tilespmem:s22+$0x2900] =	vst v5;
	v7 =	vmax.f32 v7, $0.0e+00;
	v8 =	vadd.f32 v8, v1;
	v1 =	vld [tilespmem:s24+$0x130]  }
0x46: {  	v5 =	vld [tilespmem:s24+$0x2900];
	[tilespmem:s22+$0x2910] =	vst v7;
	v6 =	vmax.f32 v6, $0.0e+00  }
0x47: {  	v7 =	vld [tilespmem:s24+$0x2910];
	[tilespmem:s22+$0x2920] =	vst v6;
	v8 =	vmax.f32 v8, $0.0e+00  }
0x48: {  	s23 =	sadd.s32 $0x200, s23;
	v6 =	vld [tilespmem:s24+$0x2920];
	[tilespmem:s22+$0x2930] =	vst v8;
	s22 =	smov.u32 s24  }
0x49: {  	v8 =	vld [tilespmem:s22+$0x2930];
	_ =	sdelay $0x1  }
0x4a: {  	v3 =	vadd.f32 v5, v3  }
0x4b: {  	v4 =	vadd.f32 v7, v4  }
0x4c: {  	v3 =	vmax.f32 v3, $0.0e+00;
	v2 =	vadd.f32 v6, v2  }
0x4d: {  	[tilespmem:s22+$0x2900] =	vst v3;
	v3 =	vmax.f32 v4, $0.0e+00;
	v1 =	vadd.f32 v8, v1  }
0x4e: {  	s21 =	sadd.s32 $0x1, s21;
	[tilespmem:s22+$0x2910] =	vst v3;
	v2 =	vmax.f32 v2, $0.0e+00  }
0x4f: {  	p1 =	sne.s32 s21, $0x7D;
	[tilespmem:s22+$0x2920] =	vst v2;
	v1 =	vmax.f32 v1, $0.0e+00  }
.Ltmp4:
0x50: {  	[tilespmem:s22+$0x2930] =	vst v1;
	(pc) =	sbr.rel @p1 .LBB2_6-.Ltmp4, $4  }
0x51: {  	[spmem:s1] =	stream.indirect.scatter.add.f32 [tilespmem:s17], [sflag:$0x2], $0x40, s14, s15, $0xb8;
	[tilespmem:$0x11540] =	vst v63  }
0x52: {  	_ =	swait.ge [sflag:s13], $0x1400  }
0x53: {  	[sflag:s13] =	ssyncset.done $0x0  }
0x54: {  	[sflag:s13] =	ssyncadd.s32 $0xFFFFEC00  }
.Ltmp5:
0x55: {  	(pc) =	sbr.rel @!p0 .LBB2_11-.Ltmp5, $4  }
0x56: {  	s20 =	sshll.u32 s5, $0x6;
	[bflag:$0x0] =	sbarrier.arrive $0xFFFF  }
0x57: {  	s21 =	sshrl.u32 s11, $0x3;
	s22 =	sadd.s32 $0x5000, s19;
	s20 =	sor.u32 $0x1C02, s20  }
0x58: {  	[hbm:s19], [sflag:s20] =	dma.local [spmem:s21], $0x500  }
0x59: {  	s23 =	smov.u32 s11;
	s21 =	sadd.s32 $0xFFFFFFFF, s8;
	_ =	swait.ge [sflag:s13], $0x500  }
.LBB2_10:
0x5a: {  	[sflag:s13] =	ssyncset.done $0x0;
	s23 =	sadd.s32 $0x28000, s23;
	p0 =	sne.s32 s21, $0x1  }
.Ltmp6:
0x5b: {  	s24 =	sshrl.u32 s23, $0x3;
	[sflag:s13] =	ssyncadd.s32 $0xFFFFFB00;
	(pc) =	sbr.rel @p0 .LBB2_10-.Ltmp6, $3  }
0x5c: {  	[hbm:s22], [sflag:s20] =	dma.local [spmem:s24], $0x500  }
0x5d: {  	s21 =	sadd.s32 $0xFFFFFFFF, s21;
	_ =	sdelay $0x1  }
0x5e: {  	s22 =	sadd.s32 $0x5000, s22;
	_ =	swait.ge [sflag:s13], $0x500  }
.LBB2_11:
0x5f: {  	s2 =	sadd.s32 $0x1, s2  }
0x60: {  	p0 =	sne.s32 s2, s10  }
.Ltmp7:
0x61: {  	_ = 	snop;
	(pc) =	sbr.rel @p0 .LBB2_1-.Ltmp7, $3  }
0x62: {  	_ =	sdelay $0x1  }
0x63: {  	[sflag:s13] =	ssyncset.done $0x0  }
0x64: {  	[sflag:s13] =	ssyncadd.s32 $0xFFFFFB00  }
0x65: {  	_ =	sfence.sel $0x180000  }
0x66: {  	[bflag:$0x0] =	sbarrier.arrive $0xFFFF  }
0x67: {  	p0 =	sne.s32 s5, $0x0;
	_ =	strace $0x90000047  }
0x68: {  	s0 =	sadd.s32 @!p0 $0x100000, s0;
	[bflag:$0x2] =	sbarrier.arrive $0xFFFF  }
0x69: {  	[sflag:s0] =	ssyncadd.tile.s32 @!p0 $0x1;
	_ =	shalt  }
.Lfunc_end2:
_tile_overlayer_lowered:
.L_overlay_start_2:
0x6a: {  	(tag) =	ssettag $0x2  }
0x6b: {  	s0 =	rddreg [dreg:$0x0];
	s2 =	stileid.u32  }
0x6c: {  	s1 =	rddreg [dreg:$0x1];
	p0 =	sne.s32 s2, $0x0  }
0x6d: {  	s3 =	rddreg [dreg:$0x2];
	[bflag:$0x3] =	sbarrier.arrive $0xFFFF;
	s2 =	simm.s32 @!p0 $0x1C02  }
0x6e: {  	[timem:s3], [sflag:s2] =	dma.local @!p0 [hbm:s0], s1  }
0x6f: {  	s0 =	simm.s32 @!p0 $0x2  }
0x70: {  	_ =	swait.ge @!p0 [sflag:s0], s1  }
0x71: {  	s1 =	ssub.s32 @!p0 $0x0, s1;
	[sflag:s0] =	ssyncset.done @!p0 $0x0  }
0x72: {  	[sflag:s0] =	ssyncadd.s32 @!p0 s1  }
0x73: {  	[bflag:$0x3] =	sbarrier.arrive $0xFFFF  }
0x74: {  	_ =	shalt  }

// kernel: kernel.14.cloned.1.call-start
scs
__scs_entry_jumppad:
0x0: {  	(pc) =	sbr.rel $0x88, $3  }
0x1: {  	(tag) =	ssettag $0x0;
	lr =	simm.s32 $0x1  }
0x2: {  	[smem:$0x3F89] =	sst lr;
	_ =	strace $0xD0000000  }
0x3: {  	_ = 	snop  }
0x4: {  	_ = 	snop  }
0x5: {  	_ = 	snop  }
0x6: {  	_ = 	snop  }
0x7: {  	_ = 	snop  }
__scs_overlays_trampoline_lowered:
0x8: {  	[smem:$0x3F98] =	sst s0  }
0x9: {  	[smem:$0x3F99] =	sst s1  }
0xa: {  	[smem:$0x3F9A] =	sst s2  }
0xb: {  	[smem:$0x3F9B] =	sst s3  }
0xc: {  	[smem:$0x3F9C] =	sst s4  }
0xd: {  	[smem:$0x3F9D] =	sst s5  }
0xe: {  	[smem:$0x3F9E] =	sst s6  }
0xf: {  	[smem:$0x3F9F] =	sst s7  }
0x10: {  	[smem:$0x3FA0] =	sst s8  }
0x11: {  	[smem:$0x3FA1] =	sst s9;
	s0 =	simm.s32 @!p0 $0x0  }
0x12: {  	s1 =	sld [smem:$0x3F87];
	s0 =	simm.s32 @p0 $0x1  }
0x13: {  	[smem:$0x3FA2] =	sst s0;
	s0 =	simm.s32 @!p1 $0x0  }
0x14: {  	s2 =	sld [smem:$0x3F86];
	s0 =	simm.s32 @p1 $0x1  }
0x15: {  	[smem:$0x3FA3] =	sst s0;
	s0 =	simm.s32 @!p2 $0x0  }
0x16: {  	s3 =	sld [smem:$0x3FDB];
	s0 =	simm.s32 @p2 $0x1  }
0x17: {  	s4 =	simm.s32 $0x1BF5;
	[smem:$0x3FA5] =	sst s0  }
0x18: {  	s0 =	sld [smem:$0x3F88];
	_ =	swait.ge [sflag:s4], $0x0  }
0x19: {  	s7 =	sld [smem:$0x3F89]  }
0x1a: {  	s8 =	sadd.s32 $0xFFFFE003, lr  }
0x1b: {  	s9 =	sadd.s32 $0xFFFFFEF7, lr;
	s5 =	simm.s32 $0xFFFFFFFF;
	p2 =	slt.u32 s8, $0xFFFFF086  }
0x1c: {  	p1 =	slt.u32 s9, $0xF7A;
	s5 =	simm.s32 @!p2 $0x0  }
0x1d: {  	s5 =	simm.s32 @p1 $0x1;
	p0 =	seq.s32 s7, s2  }
0x1e: {  	s7 =	smul.u32 @!p0 $0xF7A, s2;
	p2 =	seq.s32 @!p0 s5, $0x0  }
0x1f: {  	s9 =	smul.u32 $0xF7A, s1;
	s8 =	simm.s32 @!p0 $0x1BF5;
	p2 =	por !p2, p0  }
0x20: {  	[sflag:s8] =	ssyncset.s32 @!p0 $0xFFFFF086;
	s6 =	sadd.s32 @!p0 s3, s7;
	s7 =	simm.s32 @!p0 $0x108  }
0x21: {  	s3 =	sadd.s32 s3, s9;
	s6 =	sadd.s32 @!p0 $0x88, s6;
	s7 =	simm.s32 @p2 $0x1082  }
0x22: {  	[simem:s7], [sflag:s8] =	dma.local @!p0 [hbm:s6], $0xF7A  }
0x23: {  	s9 =	sor.u32 $0xD0000000, s2;
	s6 =	simm.s32 $0x108;
	_ =	swait.ge @!p0 [sflag:s8], $0x0  }
0x24: {  	s3 =	sadd.s32 $0x88, s3;
	s6 =	simm.s32 @!p1 $0x1082;
	[sflag:s4] =	ssyncset.s32 $0xFFFFF086  }
0x25: {  	[simem:s6], [sflag:s4] =	dma.local [hbm:s3], $0xF7A  }
0x26: {  	[smem:$0x3F89] =	sst s1;
	(tag) =	ssettag s2;
	_ =	strace s9  }
0x27: {  	s1 =	sld [smem:$0x3F99]  }
0x28: {  	s2 =	sld [smem:$0x3F9A]  }
0x29: {  	s4 =	sld [smem:$0x3F9C]  }
0x2a: {  	p0 =	seq.s32 s5, $0x0;
	s5 =	sld [smem:$0x3F9D]  }
0x2b: {  	s6 =	sld [smem:$0x3F9E]  }
0x2c: {  	s7 =	sld [smem:$0x3F9F]  }
0x2d: {  	s3 =	simm.s32 $0x108;
	s8 =	sld [smem:$0x3FA0]  }
0x2e: {  	s3 =	simm.s32 @!p0 $0x1082;
	s9 =	sld [smem:$0x3FA1]  }
0x2f: {  	lr =	sadd.s32 s0, s3;
	s0 =	sld [smem:$0x3F98]  }
0x30: {  	s3 =	sld [smem:$0x3F9B]  }
0x31: {  	[smem:$0x3FA4] =	sst s10  }
0x32: {  	s10 =	sld [smem:$0x3FA2];
	_ =	sdelay $0x3  }
0x33: {  	p0 =	seq.s32 s10, $0x1;
	s10 =	sld [smem:$0x3FA4];
	_ =	sdelay $0x3  }
0x34: {  	[smem:$0x3FA4] =	sst s10  }
0x35: {  	s10 =	sld [smem:$0x3FA3];
	_ =	sdelay $0x3  }
0x36: {  	p1 =	seq.s32 s10, $0x1;
	s10 =	sld [smem:$0x3FA4];
	_ =	sdelay $0x3  }
0x37: {  	[smem:$0x3FA4] =	sst s10  }
0x38: {  	s10 =	sld [smem:$0x3FA5]  }
0x39: {  	_ = 	snop;
	(pc) =	sbr.ind lr, $3  }
0x3a: {  	_ = 	snop  }
0x3b: {  	_ = 	snop  }
0x3c: {  	p2 =	seq.s32 s10, $0x1;
	s10 =	sld [smem:$0x3FA4]  }
0x3d: {  	_ =	shalt  }
0x3e: {  	_ =	shalt  }
0x3f: {  	_ =	shalt  }
0x40: {  	_ =	shalt  }
0x41: {  	_ =	shalt  }
0x42: {  	_ =	shalt  }
0x43: {  	_ =	shalt  }
0x44: {  	_ =	shalt  }
0x45: {  	_ =	shalt  }
0x46: {  	_ =	shalt  }
0x47: {  	_ =	shalt  }
0x48: {  	_ =	shalt  }
0x49: {  	_ =	shalt  }
0x4a: {  	_ =	shalt  }
0x4b: {  	_ =	shalt  }
0x4c: {  	_ =	shalt  }
0x4d: {  	_ =	shalt  }
0x4e: {  	_ =	shalt  }
0x4f: {  	_ =	shalt  }
0x50: {  	_ =	shalt  }
0x51: {  	_ =	shalt  }
0x52: {  	_ =	shalt  }
0x53: {  	_ =	shalt  }
0x54: {  	_ =	shalt  }
0x55: {  	_ =	shalt  }
0x56: {  	_ =	shalt  }
0x57: {  	_ =	shalt  }
0x58: {  	_ =	shalt  }
0x59: {  	_ =	shalt  }
0x5a: {  	_ =	shalt  }
0x5b: {  	_ =	shalt  }
0x5c: {  	_ =	shalt  }
0x5d: {  	_ =	shalt  }
0x5e: {  	_ =	shalt  }
0x5f: {  	_ =	shalt  }
0x60: {  	_ =	shalt  }
0x61: {  	_ =	shalt  }
0x62: {  	_ =	shalt  }
0x63: {  	_ =	shalt  }
0x64: {  	_ =	shalt  }
0x65: {  	_ =	shalt  }
0x66: {  	_ =	shalt  }
0x67: {  	_ =	shalt  }
0x68: {  	_ =	shalt  }
0x69: {  	_ =	shalt  }
0x6a: {  	_ =	shalt  }
0x6b: {  	_ =	shalt  }
0x6c: {  	_ =	shalt  }
0x6d: {  	_ =	shalt  }
0x6e: {  	_ =	shalt  }
0x6f: {  	_ =	shalt  }
0x70: {  	_ =	shalt  }
0x71: {  	_ =	shalt  }
0x72: {  	_ =	shalt  }
0x73: {  	_ =	shalt  }
0x74: {  	_ =	shalt  }
0x75: {  	_ =	shalt  }
0x76: {  	_ =	shalt  }
0x77: {  	_ =	shalt  }
0x78: {  	_ =	shalt  }
0x79: {  	_ =	shalt  }
0x7a: {  	_ =	shalt  }
0x7b: {  	_ =	shalt  }
0x7c: {  	_ =	shalt  }
0x7d: {  	_ =	shalt  }
0x7e: {  	_ =	shalt  }
0x7f: {  	_ =	shalt  }
0x80: {  	_ =	shalt  }
0x81: {  	_ =	shalt  }
0x82: {  	_ =	shalt  }
0x83: {  	_ =	shalt  }
0x84: {  	_ =	shalt  }
0x85: {  	_ =	shalt  }
0x86: {  	_ =	shalt  }
0x87: {  	_ =	shalt  }
.Lfunc_end0:
.L_simem_size_0:
called_computation.1_lowered:
.L_overlay_start_0:
0x88: {  	s2 =	sld [smem:$0x3FD9]  }
0x89: {  	s3 =	sld [smem:$0x3FFE];
	_ =	sdelay $0x1  }
0x8a: {  	s1 =	srdreg.scid  }
0x8b: {  	s0 =	sand.u32 $0x1, s1  }
0x8c: {  	s16 =	sshll.u32 s0, $0xA;
	s2 =	sadd.s32 s3, s2  }
0x8d: {  	s2 =	sadd.s32 s2, s16  }
0x8e: {  	[smem:$0x3FB0] =	sst s2  }
0x8f: {  	_ = 	snop  }
0x90: {  	(tm) =	ssettm $0x1  }
0x91: {  	s17 =	sld [smem:$0x3FFB];
	_ =	sdelay $0x3  }
0x92: {  	_ =	strace s17  }
0x93: {  	s2 =	sld [smem:$0x3FFC];
	_ =	sdelay $0x3  }
0x94: {  	_ =	strace s2  }
0x95: {  	s2 =	sld [smem:$0x3FFD];
	_ =	sdelay $0x3  }
0x96: {  	_ =	strace s2  }
0x97: {  	_ =	strace $0x8FFFFFFF  }
0x98: {  	s18 =	sld [smem:$0x3FDB];
	_ =	sdelay $0x1  }
0x99: {  	s19 =	simm.s32 $_scs_section_size  }
0x9a: {  	s4 =	simm.s32 $_size__tile_overlayer_lowered;
	s5 =	simm.s32 $_tile_overlayer_lowered  }
0x9b: {  	s22 =	simm.s32 $0x1BFF;
	s21 =	sshll.u32 s5, $0x1;
	s2 =	sadd.s32 s19, s18  }
0x9c: {  	s6 =	simm.s32 $0x0;
	s20 =	sshll.u32 s4, $0x1;
	s4 =	sadd.s32 s21, s2  }
0x9d: {  	[timem:s6], [sflag:s22] =	dma.local [hbm:s4], s20  }
0x9e: {  	_ =	swait.ge [sflag:s22], s20  }
0x9f: {  	s3 =	ssub.s32 $0x0, s20;
	[sflag:s22] =	ssyncset.done $0x0  }
0xa0: {  	[sflag:s22] =	ssyncadd.s32 s3;
	_ =	sdelay $0x1  }
0xa1: {  	s23 =	simm.s32 $0x1B8B  }
0xa2: {  	_ =	swait.ge [sflag:s23], $0x1  }
0xa3: {  	[sflag:s23] =	ssyncset.done $0x0  }
0xa4: {  	s25 =	simm.s32 $0x1B8E;
	s24 =	sld [smem:$0x3FFE];
	[sflag:s23] =	ssyncadd.s32 $0xFFFFFFFF  }
0xa5: {  	s26 =	simm.s32 $execute0_lowered;
	[smem:$0x3FD2] =	sst s25  }
0xa6: {  	s4 =	sshll.u32 s26, $0x1;
	_ =	strace $0x80000049;
	[dreg:$0x1] =	wrdreg $0xFFFFFFFF  }
0xa7: {  	s28 =	simm.s32 $_size_execute0_lowered;
	s2 =	sadd.s32 s2, s4;
	[dreg:$0x0] =	wrdreg $0x0  }
0xa8: {  	s4 =	sshll.u32 s28, $0x1;
	[dreg:$0x2] =	wrdreg s2  }
0xa9: {  	[dreg:$0x3] =	wrdreg s4  }
0xaa: {  	[dreg:$0x4] =	wrdreg $0xC0  }
0xab: {  	_ =	task [dreg:s6], $0x5FFFF  }
0xac: {  	[dreg:$0x1] =	wrdreg $0xFFFFFFFF  }
0xad: {  	[dreg:$0x0] =	wrdreg $0x60  }
0xae: {  	[dreg:$0x2] =	wrdreg s24  }
0xaf: {  	[dreg:$0x3] =	wrdreg $0x79000  }
0xb0: {  	[dreg:$0x4] =	wrdreg $0x9  }
0xb1: {  	_ =	task.clear_ibuf [dreg:s6], $0x5FFFF;
	_ =	strace $0x90000049  }
0xb2: {  	s29 =	simm.s32 $0x9;
	_ =	strace $0x8000004B  }
0xb3: {  	_ =	swait.ge [sflag:s29], $0x1  }
0xb4: {  	[sflag:s29] =	ssyncadd.s32 $0xFFFFFFFF  }
0xb5: {  	_ =	strace $0x9000004B  }
0xb6: {  	_ =	sfence  }
0xb7: {  	s30 =	sld [smem:$0x0];
	_ =	sdelay $0x2  }
0xb8: {  	s31 =	sshll.u32 s1, $0xD;
	s1 =	sshrl.u32 s1, $0x2  }
0xb9: {  	s3 =	sand.u32 $0x4000, s31;
	s1 =	sadd.s32 s1, s30  }
0xba: {  	s0 =	sor.u32 s3, s0;
	s1 =	sshll.u32 s1, $0x11  }
0xbb: {  	s0 =	sor.u32 s1, s0  }
0xbc: {  	s0 =	sadd.s32 $0x8F2B, s0  }
0xbd: {  	[sflag:s0] =	ssyncadd.remote.s32 $0x1  }
0xbe: {  	_ =	sfence.sel $0xFFFF  }
0xbf: {  	[dreg:$0x0] =	wrdreg $0xFFFFFFFF;
	(pc) =	sbr.abs _section_cstart, $3  }
0xc0: {  	[dreg:$0x1] =	wrdreg $0xFFFFFFFF  }
0xc1: {  	_ =	task.clear_ibuf [dreg:s6], $0x2FFFF;
	_ =	strace $0x9FFFFFFF  }
0xc2: {  	(tm) =	ssettm $0x7FFFFFFF  }
0xc3: {  	_ =	shalt  }
tec
execute0_lowered:
.L_overlay_start_1:
0x0: {  	(tag) =	ssettag $0x1  }
0x1: {  	s5 =	rddreg [dreg:$0x0]  }
0x2: {  	s1 =	rddreg [dreg:$0x1]  }
0x3: {  	s0 =	rddreg [dreg:$0x2];
	s2 =	simm.s32 $0x0;
	s3 =	srdreg.scid  }
0x4: {  	s13 =	simm.s32 $0x2;
	s14 =	simm.s32 $0x80;
	s15 =	simm.s32 $0x50  }
0x5: {  	s16 =	simm.s32 $0x100;
	s17 =	simm.s32 $0x2900;
	s18 =	simm.s32 $0x1  }
0x6: {  	[smem:$0x7FF] =	sst s2;
	s8 =	sand.u32 $0x1, s3;
	s3 =	sadd.s32 $0x19C00, s5  }
0x7: {  	s4 =	sadd.s32 $0x9DDC00, s5;
	s6 =	sadd.s32 $0xFE00, s5;
	s9 =	smul.u32 $0x27100, s8  }
0x8: {  	s7 =	sadd.s32 $0x6000, s5;
	_ =	strace $0x8000004A;
	s10 =	ssub.s32 $0x2, s8  }
0x9: {  	s30 =	sshrl.u32 s10, $0x1;
	s11 =	sadd.s32 s9, s5;
	s5 =	stileid.u32  }
0xa: {  	s8 =	sshll.u32 s8, $0x4;
	s10 =	ssub.s32 s10, s30;
	s12 =	smul.u32 $0xA000, s5  }
0xb: {  	s31 =	sor.u32 s5, s8;
	p0 =	slt.u32 s5, $0xD;
	s8 =	simm.s32 $0x8  }
0xc: {  	s19 =	sadd.s32 $0x68000, s11;
	s10 =	smax.u32 s10, $0x1;
	s20 =	smul.u32 $0x500, s5  }
0xd: {  	s8 =	simm.s32 @!p0 $0x7;
	s9 =	smul.u32 $0x2710, s31;
	s12 =	sshrl.u32 s12, $0x2  }
0xe: {  	v0 =	vimm.f32 $0.0e+00;
	s19 =	sadd.s32 s19, s20;
	s11 =	sadd.s32 s12, s1;
	s12 =	simm.s32 $0x5100  }
.LBB2_1:
0xf: {  	s21 =	simm.s32 $0x200;
	s20 =	simm.s32 $0x0  }
.LBB2_2:
0x10: {  	p0 =	sne.s32 s21, $0x9E00;
	[tilespmem:s20+$0x5130] =	vst v0;
	s22 =	smov.u32 s21;
	s21 =	sadd.s32 $0x200, s21  }
.Ltmp0:
0x11: {  	[tilespmem:s20+$0x5120] =	vst v0;
	(pc) =	sbr.rel @p0 .LBB2_2-.Ltmp0, $3  }
0x12: {  	[tilespmem:s20+$0x5100] =	vst v0  }
0x13: {  	[tilespmem:s20+$0x5110] =	vst v0;
	_ =	sdelay $0x1  }
0x14: {  	s20 =	sshra.s32 s22, $0x2  }
0x15: {  	[tilespmem:s20+$0x5130] =	vst v0  }
0x16: {  	[tilespmem:s20+$0x5120] =	vst v0;
	p0 =	sne.s32 s8, $0x1  }
.Ltmp1:
0x17: {  	[tilespmem:s20+$0x5100] =	vst v0;
	(pc) =	sbr.rel @!p0 .LBB2_5-.Ltmp1, $4  }
0x18: {  	[tilespmem:s20+$0x5110] =	vst v0  }
0x19: {  	[spmem:s11] =	stream.linear.scatter [tilespmem:s12], [sflag:$0x2], $0x2800, $0x38;
	[tilespmem:$0x11540] =	vst v63  }
0x1a: {  	_ =	swait.ge [sflag:s13], $0x2800  }
0x1b: {  	s20 =	sadd.s32 $0xFFFFFFFF, s8;
	s21 =	smov.u32 s11;
	[sflag:s13] =	ssyncset.done $0x0  }
.LBB2_4:
0x1c: {  	p1 =	sne.s32 s20, $0x1;
	[sflag:s13] =	ssyncadd.s32 $0xFFFFD800;
	s21 =	sadd.s32 $0x28000, s21  }
.Ltmp2:
0x1d: {  	s20 =	sadd.s32 $0xFFFFFFFF, s20;
	(pc) =	sbr.rel @p1 .LBB2_4-.Ltmp2, $4  }
0x1e: {  	_ = 	snop  }
0x1f: {  	[spmem:s21] =	stream.linear.scatter [tilespmem:s12], [sflag:$0x2], $0x2800, $0x38;
	[tilespmem:$0x11540] =	vst v63  }
0x20: {  	_ =	swait.ge [sflag:s13], $0x2800  }
0x21: {  	[sflag:s13] =	ssyncset.done $0x0  }
.LBB2_5:
0x22: {  	[sflag:s13] =	ssyncadd.s32 $0xFFFFD800  }
0x23: {  	s20 =	simm.s32 $0x0;
	s21 =	simm.s32 $0x0;
	[bflag:$0x0] =	sbarrier.arrive $0xFFFF  }
.LBB2_6:
0x24: {  	s22 =	smul.u32 $0x50, s21;
	_ =	sdelay $0x1  }
0x25: {  	s22 =	sadd.s32 s9, s22  }
0x26: {  	s23 =	sshrl.u32 s22, $0x3  }
0x27: {  	s24 =	sadd.s32 s6, s23  }
0x28: {  	[tilespmem:s20], [sflag:$0x2] =	stream.linear.gather [hbm4b:s24+s20], $0x50, $0x38;
	[tilespmem:$0x11540] =	vst v63  }
0x29: {  	_ =	swait.ge [sflag:s13], $0x50  }
0x2a: {  	[sflag:s13] =	ssyncset.done $0x0  }
0x2b: {  	s23 =	sadd.s32 s7, s23;
	[sflag:s13] =	ssyncadd.s32 $0xFFFFFFB0  }
0x2c: {  	[tilespmem:s14], [sflag:$0x2] =	stream.linear.gather [hbm4b:s23+s20], $0x50, $0x38;
	[tilespmem:$0x11540] =	vst v63  }
0x2d: {  	_ =	swait.ge [sflag:s13], $0x50  }
0x2e: {  	[sflag:s13] =	ssyncset.done $0x0  }
0x2f: {  	s22 =	sshll.u32 s22, $0x4;
	[sflag:s13] =	ssyncadd.s32 $0xFFFFFFB0  }
0x30: {  	[tilespmem:s16], [sflag:$0x1] =	stream.indirect.gather [hbm4b:s3+s15], $0x80, s20, s15, $0xb8;
	[tilespmem:$0x11540] =	vst v63  }
0x31: {  	s22 =	sadd.s32 s4, s22  }
0x32: {  	[tilespmem:s17], [sflag:$0x2] =	stream.linear.gather [hbm4b:s22+s20], $0x2800, $0x38;
	[tilespmem:$0x11540] =	vst v63  }
0x33: {  	_ =	swait.ge [sflag:s13], $0x2800  }
0x34: {  	[sflag:s13] =	ssyncset.done $0x0  }
0x35: {  	[sflag:s13] =	ssyncadd.s32 $0xFFFFD800  }
0x36: {  	_ =	swait.ge [sflag:s18], $0x2800  }
0x37: {  	[sflag:s18] =	ssyncset.done $0x0  }
0x38: {  	s22 =	simm.s32 $0x0;
	[sflag:s18] =	ssyncadd.s32 $0xFFFFD800  }
0x39: {  	v3 =	vld [tilespmem:s22+$0x100]  }
0x3a: {  	v4 =	vld [tilespmem:s22+$0x110]  }
0x3b: {  	v2 =	vld [tilespmem:s22+$0x120]  }
0x3c: {  	v1 =	vld [tilespmem:s22+$0x130]  }
0x3d: {  	v5 =	vld [tilespmem:s22+$0x2900]  }
0x3e: {  	v7 =	vld [tilespmem:s22+$0x2910]  }
0x3f: {  	s23 =	simm.s32 $0x200;
	v6 =	vld [tilespmem:s22+$0x2920]  }
.LBB2_7:
0x40: {  	p1 =	sne.s32 s23, $0x9E00;
	v8 =	vld [tilespmem:s22+$0x2930]  }
0x41: {  	s24 =	sshra.s32 s23, $0x2  }
0x42: {  	v5 =	vadd.f32 v5, v3;
	v3 =	vld [tilespmem:s24+$0x100]  }
0x43: {  	v7 =	vadd.f32 v7, v4;
	v4 =	vld [tilespmem:s24+$0x110]  }
.Ltmp3:
0x44: {  	v5 =	vmax.f32 v5, $0.0e+00;
	v6 =	vadd.f32 v6, v2;
	v2 =	vld [tilespmem:s24+$0x120];
	(pc) =	sbr.rel @p1 .LBB2_7-.Ltmp3, $4  }
0x45: {  	[tilespmem:s22+$0x2900] =	vst v5;
	v7 =	vmax.f32 v7, $0.0e+00;
	v8 =	vadd.f32 v8, v1;
	v1 =	vld [tilespmem:s24+$0x130]  }
0x46: {  	v5 =	vld [tilespmem:s24+$0x2900];
	[tilespmem:s22+$0x2910] =	vst v7;
	v6 =	vmax.f32 v6, $0.0e+00  }
0x47: {  	v7 =	vld [tilespmem:s24+$0x2910];
	[tilespmem:s22+$0x2920] =	vst v6;
	v8 =	vmax.f32 v8, $0.0e+00  }
0x48: {  	s23 =	sadd.s32 $0x200, s23;
	v6 =	vld [tilespmem:s24+$0x2920];
	[tilespmem:s22+$0x2930] =	vst v8;
	s22 =	smov.u32 s24  }
0x49: {  	v8 =	vld [tilespmem:s22+$0x2930];
	_ =	sdelay $0x1  }
0x4a: {  	v3 =	vadd.f32 v5, v3  }
0x4b: {  	v4 =	vadd.f32 v7, v4  }
0x4c: {  	v3 =	vmax.f32 v3, $0.0e+00;
	v2 =	vadd.f32 v6, v2  }
0x4d: {  	[tilespmem:s22+$0x2900] =	vst v3;
	v3 =	vmax.f32 v4, $0.0e+00;
	v1 =	vadd.f32 v8, v1  }
0x4e: {  	s21 =	sadd.s32 $0x1, s21;
	[tilespmem:s22+$0x2910] =	vst v3;
	v2 =	vmax.f32 v2, $0.0e+00  }
0x4f: {  	p1 =	sne.s32 s21, $0x7D;
	[tilespmem:s22+$0x2920] =	vst v2;
	v1 =	vmax.f32 v1, $0.0e+00  }
.Ltmp4:
0x50: {  	[tilespmem:s22+$0x2930] =	vst v1;
	(pc) =	sbr.rel @p1 .LBB2_6-.Ltmp4, $4  }
0x51: {  	[spmem:s1] =	stream.indirect.scatter.add.f32 [tilespmem:s17], [sflag:$0x2], $0x40, s14, s15, $0xb8;
	[tilespmem:$0x11540] =	vst v63  }
0x52: {  	_ =	swait.ge [sflag:s13], $0x1400  }
0x53: {  	[sflag:s13] =	ssyncset.done $0x0  }
0x54: {  	[sflag:s13] =	ssyncadd.s32 $0xFFFFEC00  }
.Ltmp5:
0x55: {  	(pc) =	sbr.rel @!p0 .LBB2_11-.Ltmp5, $4  }
0x56: {  	s20 =	sshll.u32 s5, $0x6;
	[bflag:$0x0] =	sbarrier.arrive $0xFFFF  }
0x57: {  	s21 =	sshrl.u32 s11, $0x3;
	s22 =	sadd.s32 $0x5000, s19;
	s20 =	sor.u32 $0x1C02, s20  }
0x58: {  	[hbm:s19], [sflag:s20] =	dma.local [spmem:s21], $0x500  }
0x59: {  	s23 =	smov.u32 s11;
	s21 =	sadd.s32 $0xFFFFFFFF, s8;
	_ =	swait.ge [sflag:s13], $0x500  }
.LBB2_10:
0x5a: {  	[sflag:s13] =	ssyncset.done $0x0;
	s23 =	sadd.s32 $0x28000, s23;
	p0 =	sne.s32 s21, $0x1  }
.Ltmp6:
0x5b: {  	s24 =	sshrl.u32 s23, $0x3;
	[sflag:s13] =	ssyncadd.s32 $0xFFFFFB00;
	(pc) =	sbr.rel @p0 .LBB2_10-.Ltmp6, $3  }
0x5c: {  	[hbm:s22], [sflag:s20] =	dma.local [spmem:s24], $0x500  }
0x5d: {  	s21 =	sadd.s32 $0xFFFFFFFF, s21;
	_ =	sdelay $0x1  }
0x5e: {  	s22 =	sadd.s32 $0x5000, s22;
	_ =	swait.ge [sflag:s13], $0x500  }
.LBB2_11:
0x5f: {  	s2 =	sadd.s32 $0x1, s2  }
0x60: {  	p0 =	sne.s32 s2, s10  }
.Ltmp7:
0x61: {  	_ = 	snop;
	(pc) =	sbr.rel @p0 .LBB2_1-.Ltmp7, $3  }
0x62: {  	_ =	sdelay $0x1  }
0x63: {  	[sflag:s13] =	ssyncset.done $0x0  }
0x64: {  	[sflag:s13] =	ssyncadd.s32 $0xFFFFFB00  }
0x65: {  	_ =	sfence.sel $0x180000  }
0x66: {  	[bflag:$0x0] =	sbarrier.arrive $0xFFFF  }
0x67: {  	p0 =	sne.s32 s5, $0x0;
	_ =	strace $0x9000004A  }
0x68: {  	s0 =	sadd.s32 @!p0 $0x100000, s0;
	[bflag:$0x2] =	sbarrier.arrive $0xFFFF  }
0x69: {  	[sflag:s0] =	ssyncadd.tile.s32 @!p0 $0x1;
	_ =	shalt  }
.Lfunc_end2:
_tile_overlayer_lowered:
.L_overlay_start_2:
0x6a: {  	(tag) =	ssettag $0x2  }
0x6b: {  	s0 =	rddreg [dreg:$0x0];
	s2 =	stileid.u32  }
0x6c: {  	s1 =	rddreg [dreg:$0x1];
	p0 =	sne.s32 s2, $0x0  }
0x6d: {  	s3 =	rddreg [dreg:$0x2];
	[bflag:$0x3] =	sbarrier.arrive $0xFFFF;
	s2 =	simm.s32 @!p0 $0x1C02  }
0x6e: {  	[timem:s3], [sflag:s2] =	dma.local @!p0 [hbm:s0], s1  }
0x6f: {  	s0 =	simm.s32 @!p0 $0x2  }
0x70: {  	_ =	swait.ge @!p0 [sflag:s0], s1  }
0x71: {  	s1 =	ssub.s32 @!p0 $0x0, s1;
	[sflag:s0] =	ssyncset.done @!p0 $0x0  }
0x72: {  	[sflag:s0] =	ssyncadd.s32 @!p0 s1  }
0x73: {  	[bflag:$0x3] =	sbarrier.arrive $0xFFFF  }
0x74: {  	_ =	shalt  }

// kernel: kernel.17.cloned.1.call-start
scs
__scs_entry_jumppad:
0x0: {  	(pc) =	sbr.rel $0x88, $3  }
0x1: {  	(tag) =	ssettag $0x0;
	lr =	simm.s32 $0x1  }
0x2: {  	[smem:$0x3F89] =	sst lr;
	_ =	strace $0xD0000000  }
0x3: {  	_ = 	snop  }
0x4: {  	_ = 	snop  }
0x5: {  	_ = 	snop  }
0x6: {  	_ = 	snop  }
0x7: {  	_ = 	snop  }
__scs_overlays_trampoline_lowered:
0x8: {  	[smem:$0x3F98] =	sst s0  }
0x9: {  	[smem:$0x3F99] =	sst s1  }
0xa: {  	[smem:$0x3F9A] =	sst s2  }
0xb: {  	[smem:$0x3F9B] =	sst s3  }
0xc: {  	[smem:$0x3F9C] =	sst s4  }
0xd: {  	[smem:$0x3F9D] =	sst s5  }
0xe: {  	[smem:$0x3F9E] =	sst s6  }
0xf: {  	[smem:$0x3F9F] =	sst s7  }
0x10: {  	[smem:$0x3FA0] =	sst s8  }
0x11: {  	[smem:$0x3FA1] =	sst s9;
	s0 =	simm.s32 @!p0 $0x0  }
0x12: {  	s1 =	sld [smem:$0x3F87];
	s0 =	simm.s32 @p0 $0x1  }
0x13: {  	[smem:$0x3FA2] =	sst s0;
	s0 =	simm.s32 @!p1 $0x0  }
0x14: {  	s2 =	sld [smem:$0x3F86];
	s0 =	simm.s32 @p1 $0x1  }
0x15: {  	[smem:$0x3FA3] =	sst s0;
	s0 =	simm.s32 @!p2 $0x0  }
0x16: {  	s3 =	sld [smem:$0x3FDB];
	s0 =	simm.s32 @p2 $0x1  }
0x17: {  	s4 =	simm.s32 $0x1BF5;
	[smem:$0x3FA5] =	sst s0  }
0x18: {  	s0 =	sld [smem:$0x3F88];
	_ =	swait.ge [sflag:s4], $0x0  }
0x19: {  	s7 =	sld [smem:$0x3F89]  }
0x1a: {  	s8 =	sadd.s32 $0xFFFFE003, lr  }
0x1b: {  	s9 =	sadd.s32 $0xFFFFFEF7, lr;
	s5 =	simm.s32 $0xFFFFFFFF;
	p2 =	slt.u32 s8, $0xFFFFF086  }
0x1c: {  	p1 =	slt.u32 s9, $0xF7A;
	s5 =	simm.s32 @!p2 $0x0  }
0x1d: {  	s5 =	simm.s32 @p1 $0x1;
	p0 =	seq.s32 s7, s2  }
0x1e: {  	s7 =	smul.u32 @!p0 $0xF7A, s2;
	p2 =	seq.s32 @!p0 s5, $0x0  }
0x1f: {  	s9 =	smul.u32 $0xF7A, s1;
	s8 =	simm.s32 @!p0 $0x1BF5;
	p2 =	por !p2, p0  }
0x20: {  	[sflag:s8] =	ssyncset.s32 @!p0 $0xFFFFF086;
	s6 =	sadd.s32 @!p0 s3, s7;
	s7 =	simm.s32 @!p0 $0x108  }
0x21: {  	s3 =	sadd.s32 s3, s9;
	s6 =	sadd.s32 @!p0 $0x88, s6;
	s7 =	simm.s32 @p2 $0x1082  }
0x22: {  	[simem:s7], [sflag:s8] =	dma.local @!p0 [hbm:s6], $0xF7A  }
0x23: {  	s9 =	sor.u32 $0xD0000000, s2;
	s6 =	simm.s32 $0x108;
	_ =	swait.ge @!p0 [sflag:s8], $0x0  }
0x24: {  	s3 =	sadd.s32 $0x88, s3;
	s6 =	simm.s32 @!p1 $0x1082;
	[sflag:s4] =	ssyncset.s32 $0xFFFFF086  }
0x25: {  	[simem:s6], [sflag:s4] =	dma.local [hbm:s3], $0xF7A  }
0x26: {  	[smem:$0x3F89] =	sst s1;
	(tag) =	ssettag s2;
	_ =	strace s9  }
0x27: {  	s1 =	sld [smem:$0x3F99]  }
0x28: {  	s2 =	sld [smem:$0x3F9A]  }
0x29: {  	s4 =	sld [smem:$0x3F9C]  }
0x2a: {  	p0 =	seq.s32 s5, $0x0;
	s5 =	sld [smem:$0x3F9D]  }
0x2b: {  	s6 =	sld [smem:$0x3F9E]  }
0x2c: {  	s7 =	sld [smem:$0x3F9F]  }
0x2d: {  	s3 =	simm.s32 $0x108;
	s8 =	sld [smem:$0x3FA0]  }
0x2e: {  	s3 =	simm.s32 @!p0 $0x1082;
	s9 =	sld [smem:$0x3FA1]  }
0x2f: {  	lr =	sadd.s32 s0, s3;
	s0 =	sld [smem:$0x3F98]  }
0x30: {  	s3 =	sld [smem:$0x3F9B]  }
0x31: {  	[smem:$0x3FA4] =	sst s10  }
0x32: {  	s10 =	sld [smem:$0x3FA2];
	_ =	sdelay $0x3  }
0x33: {  	p0 =	seq.s32 s10, $0x1;
	s10 =	sld [smem:$0x3FA4];
	_ =	sdelay $0x3  }
0x34: {  	[smem:$0x3FA4] =	sst s10  }
0x35: {  	s10 =	sld [smem:$0x3FA3];
	_ =	sdelay $0x3  }
0x36: {  	p1 =	seq.s32 s10, $0x1;
	s10 =	sld [smem:$0x3FA4];
	_ =	sdelay $0x3  }
0x37: {  	[smem:$0x3FA4] =	sst s10  }
0x38: {  	s10 =	sld [smem:$0x3FA5]  }
0x39: {  	_ = 	snop;
	(pc) =	sbr.ind lr, $3  }
0x3a: {  	_ = 	snop  }
0x3b: {  	_ = 	snop  }
0x3c: {  	p2 =	seq.s32 s10, $0x1;
	s10 =	sld [smem:$0x3FA4]  }
0x3d: {  	_ =	shalt  }
0x3e: {  	_ =	shalt  }
0x3f: {  	_ =	shalt  }
0x40: {  	_ =	shalt  }
0x41: {  	_ =	shalt  }
0x42: {  	_ =	shalt  }
0x43: {  	_ =	shalt  }
0x44: {  	_ =	shalt  }
0x45: {  	_ =	shalt  }
0x46: {  	_ =	shalt  }
0x47: {  	_ =	shalt  }
0x48: {  	_ =	shalt  }
0x49: {  	_ =	shalt  }
0x4a: {  	_ =	shalt  }
0x4b: {  	_ =	shalt  }
0x4c: {  	_ =	shalt  }
0x4d: {  	_ =	shalt  }
0x4e: {  	_ =	shalt  }
0x4f: {  	_ =	shalt  }
0x50: {  	_ =	shalt  }
0x51: {  	_ =	shalt  }
0x52: {  	_ =	shalt  }
0x53: {  	_ =	shalt  }
0x54: {  	_ =	shalt  }
0x55: {  	_ =	shalt  }
0x56: {  	_ =	shalt  }
0x57: {  	_ =	shalt  }
0x58: {  	_ =	shalt  }
0x59: {  	_ =	shalt  }
0x5a: {  	_ =	shalt  }
0x5b: {  	_ =	shalt  }
0x5c: {  	_ =	shalt  }
0x5d: {  	_ =	shalt  }
0x5e: {  	_ =	shalt  }
0x5f: {  	_ =	shalt  }
0x60: {  	_ =	shalt  }
0x61: {  	_ =	shalt  }
0x62: {  	_ =	shalt  }
0x63: {  	_ =	shalt  }
0x64: {  	_ =	shalt  }
0x65: {  	_ =	shalt  }
0x66: {  	_ =	shalt  }
0x67: {  	_ =	shalt  }
0x68: {  	_ =	shalt  }
0x69: {  	_ =	shalt  }
0x6a: {  	_ =	shalt  }
0x6b: {  	_ =	shalt  }
0x6c: {  	_ =	shalt  }
0x6d: {  	_ =	shalt  }
0x6e: {  	_ =	shalt  }
0x6f: {  	_ =	shalt  }
0x70: {  	_ =	shalt  }
0x71: {  	_ =	shalt  }
0x72: {  	_ =	shalt  }
0x73: {  	_ =	shalt  }
0x74: {  	_ =	shalt  }
0x75: {  	_ =	shalt  }
0x76: {  	_ =	shalt  }
0x77: {  	_ =	shalt  }
0x78: {  	_ =	shalt  }
0x79: {  	_ =	shalt  }
0x7a: {  	_ =	shalt  }
0x7b: {  	_ =	shalt  }
0x7c: {  	_ =	shalt  }
0x7d: {  	_ =	shalt  }
0x7e: {  	_ =	shalt  }
0x7f: {  	_ =	shalt  }
0x80: {  	_ =	shalt  }
0x81: {  	_ =	shalt  }
0x82: {  	_ =	shalt  }
0x83: {  	_ =	shalt  }
0x84: {  	_ =	shalt  }
0x85: {  	_ =	shalt  }
0x86: {  	_ =	shalt  }
0x87: {  	_ =	shalt  }
.Lfunc_end0:
.L_simem_size_0:
called_computation.2_lowered:
.L_overlay_start_0:
0x88: {  	s2 =	sld [smem:$0x3FD9]  }
0x89: {  	s3 =	sld [smem:$0x3FFE];
	_ =	sdelay $0x1  }
0x8a: {  	s1 =	srdreg.scid  }
0x8b: {  	s0 =	sand.u32 $0x1, s1  }
0x8c: {  	s16 =	sshll.u32 s0, $0xA;
	s2 =	sadd.s32 s3, s2  }
0x8d: {  	s2 =	sadd.s32 s2, s16  }
0x8e: {  	[smem:$0x3FB0] =	sst s2  }
0x8f: {  	_ = 	snop  }
0x90: {  	(tm) =	ssettm $0x1  }
0x91: {  	s17 =	sld [smem:$0x3FFB];
	_ =	sdelay $0x3  }
0x92: {  	_ =	strace s17  }
0x93: {  	s2 =	sld [smem:$0x3FFC];
	_ =	sdelay $0x3  }
0x94: {  	_ =	strace s2  }
0x95: {  	s2 =	sld [smem:$0x3FFD];
	_ =	sdelay $0x3  }
0x96: {  	_ =	strace s2  }
0x97: {  	_ =	strace $0x8FFFFFFF  }
0x98: {  	s18 =	sld [smem:$0x3FDB];
	_ =	sdelay $0x1  }
0x99: {  	s19 =	simm.s32 $_scs_section_size  }
0x9a: {  	s4 =	simm.s32 $_size__tile_overlayer_lowered;
	s5 =	simm.s32 $_tile_overlayer_lowered  }
0x9b: {  	s22 =	simm.s32 $0x1BFF;
	s21 =	sshll.u32 s5, $0x1;
	s2 =	sadd.s32 s19, s18  }
0x9c: {  	s6 =	simm.s32 $0x0;
	s20 =	sshll.u32 s4, $0x1;
	s4 =	sadd.s32 s21, s2  }
0x9d: {  	[timem:s6], [sflag:s22] =	dma.local [hbm:s4], s20  }
0x9e: {  	_ =	swait.ge [sflag:s22], s20  }
0x9f: {  	s3 =	ssub.s32 $0x0, s20;
	[sflag:s22] =	ssyncset.done $0x0  }
0xa0: {  	[sflag:s22] =	ssyncadd.s32 s3;
	_ =	sdelay $0x1  }
0xa1: {  	s23 =	simm.s32 $0x1B8B  }
0xa2: {  	_ =	swait.ge [sflag:s23], $0x1  }
0xa3: {  	[sflag:s23] =	ssyncset.done $0x0  }
0xa4: {  	s25 =	simm.s32 $0x1B8E;
	s24 =	sld [smem:$0x3FFE];
	[sflag:s23] =	ssyncadd.s32 $0xFFFFFFFF  }
0xa5: {  	s26 =	simm.s32 $execute0_lowered;
	[smem:$0x3FD2] =	sst s25  }
0xa6: {  	s4 =	sshll.u32 s26, $0x1;
	_ =	strace $0x8000004C;
	[dreg:$0x1] =	wrdreg $0xFFFFFFFF  }
0xa7: {  	s28 =	simm.s32 $_size_execute0_lowered;
	s2 =	sadd.s32 s2, s4;
	[dreg:$0x0] =	wrdreg $0x0  }
0xa8: {  	s4 =	sshll.u32 s28, $0x1;
	[dreg:$0x2] =	wrdreg s2  }
0xa9: {  	[dreg:$0x3] =	wrdreg s4  }
0xaa: {  	[dreg:$0x4] =	wrdreg $0xC0  }
0xab: {  	_ =	task [dreg:s6], $0x5FFFF  }
0xac: {  	[dreg:$0x1] =	wrdreg $0xFFFFFFFF  }
0xad: {  	[dreg:$0x0] =	wrdreg $0x60  }
0xae: {  	[dreg:$0x2] =	wrdreg s24  }
0xaf: {  	[dreg:$0x3] =	wrdreg $0x79000  }
0xb0: {  	[dreg:$0x4] =	wrdreg $0x9  }
0xb1: {  	_ =	task.clear_ibuf [dreg:s6], $0x5FFFF;
	_ =	strace $0x9000004C  }
0xb2: {  	s29 =	simm.s32 $0x9;
	_ =	strace $0x8000004E  }
0xb3: {  	_ =	swait.ge [sflag:s29], $0x1  }
0xb4: {  	[sflag:s29] =	ssyncadd.s32 $0xFFFFFFFF  }
0xb5: {  	_ =	strace $0x9000004E  }
0xb6: {  	_ =	sfence  }
0xb7: {  	s30 =	sld [smem:$0x0];
	_ =	sdelay $0x2  }
0xb8: {  	s31 =	sshll.u32 s1, $0xD;
	s1 =	sshrl.u32 s1, $0x2  }
0xb9: {  	s3 =	sand.u32 $0x4000, s31;
	s1 =	sadd.s32 s1, s30  }
0xba: {  	s0 =	sor.u32 s3, s0;
	s1 =	sshll.u32 s1, $0x11  }
0xbb: {  	s0 =	sor.u32 s1, s0  }
0xbc: {  	s0 =	sadd.s32 $0x8F2B, s0  }
0xbd: {  	[sflag:s0] =	ssyncadd.remote.s32 $0x1  }
0xbe: {  	_ =	sfence.sel $0xFFFF  }
0xbf: {  	[dreg:$0x0] =	wrdreg $0xFFFFFFFF;
	(pc) =	sbr.abs _section_cstart, $3  }
0xc0: {  	[dreg:$0x1] =	wrdreg $0xFFFFFFFF  }
0xc1: {  	_ =	task.clear_ibuf [dreg:s6], $0x2FFFF;
	_ =	strace $0x9FFFFFFF  }
0xc2: {  	(tm) =	ssettm $0x7FFFFFFF  }
0xc3: {  	_ =	shalt  }
tec
execute0_lowered:
.L_overlay_start_1:
0x0: {  	(tag) =	ssettag $0x1  }
0x1: {  	s5 =	rddreg [dreg:$0x0]  }
0x2: {  	s1 =	rddreg [dreg:$0x1]  }
0x3: {  	s0 =	rddreg [dreg:$0x2];
	s2 =	simm.s32 $0x0;
	s3 =	srdreg.scid  }
0x4: {  	s13 =	simm.s32 $0x2;
	s14 =	simm.s32 $0x80;
	s15 =	simm.s32 $0x50  }
0x5: {  	s16 =	simm.s32 $0x100;
	s17 =	simm.s32 $0x2900;
	s18 =	simm.s32 $0x1  }
0x6: {  	[smem:$0x7FF] =	sst s2;
	s8 =	sand.u32 $0x1, s3;
	s3 =	sadd.s32 $0x19C00, s5  }
0x7: {  	s4 =	sadd.s32 $0xEBFC00, s5;
	s6 =	sadd.s32 $0xFE00, s5;
	s9 =	smul.u32 $0x27100, s8  }
0x8: {  	s7 =	sadd.s32 $0x6000, s5;
	_ =	strace $0x8000004D;
	s10 =	ssub.s32 $0x2, s8  }
0x9: {  	s30 =	sshrl.u32 s10, $0x1;
	s11 =	sadd.s32 s9, s5;
	s5 =	stileid.u32  }
0xa: {  	s8 =	sshll.u32 s8, $0x4;
	s10 =	ssub.s32 s10, s30;
	s12 =	smul.u32 $0xA000, s5  }
0xb: {  	s31 =	sor.u32 s5, s8;
	p0 =	slt.u32 s5, $0xD;
	s8 =	simm.s32 $0x8  }
0xc: {  	s19 =	sadd.s32 $0x68000, s11;
	s10 =	smax.u32 s10, $0x1;
	s20 =	smul.u32 $0x500, s5  }
0xd: {  	s8 =	simm.s32 @!p0 $0x7;
	s9 =	smul.u32 $0x2710, s31;
	s12 =	sshrl.u32 s12, $0x2  }
0xe: {  	v0 =	vimm.f32 $0.0e+00;
	s19 =	sadd.s32 s19, s20;
	s11 =	sadd.s32 s12, s1;
	s12 =	simm.s32 $0x5100  }
.LBB2_1:
0xf: {  	s21 =	simm.s32 $0x200;
	s20 =	simm.s32 $0x0  }
.LBB2_2:
0x10: {  	p0 =	sne.s32 s21, $0x9E00;
	[tilespmem:s20+$0x5130] =	vst v0;
	s22 =	smov.u32 s21;
	s21 =	sadd.s32 $0x200, s21  }
.Ltmp0:
0x11: {  	[tilespmem:s20+$0x5120] =	vst v0;
	(pc) =	sbr.rel @p0 .LBB2_2-.Ltmp0, $3  }
0x12: {  	[tilespmem:s20+$0x5100] =	vst v0  }
0x13: {  	[tilespmem:s20+$0x5110] =	vst v0;
	_ =	sdelay $0x1  }
0x14: {  	s20 =	sshra.s32 s22, $0x2  }
0x15: {  	[tilespmem:s20+$0x5130] =	vst v0  }
0x16: {  	[tilespmem:s20+$0x5120] =	vst v0;
	p0 =	sne.s32 s8, $0x1  }
.Ltmp1:
0x17: {  	[tilespmem:s20+$0x5100] =	vst v0;
	(pc) =	sbr.rel @!p0 .LBB2_5-.Ltmp1, $4  }
0x18: {  	[tilespmem:s20+$0x5110] =	vst v0  }
0x19: {  	[spmem:s11] =	stream.linear.scatter [tilespmem:s12], [sflag:$0x2], $0x2800, $0x38;
	[tilespmem:$0x11540] =	vst v63  }
0x1a: {  	_ =	swait.ge [sflag:s13], $0x2800  }
0x1b: {  	s20 =	sadd.s32 $0xFFFFFFFF, s8;
	s21 =	smov.u32 s11;
	[sflag:s13] =	ssyncset.done $0x0  }
.LBB2_4:
0x1c: {  	p1 =	sne.s32 s20, $0x1;
	[sflag:s13] =	ssyncadd.s32 $0xFFFFD800;
	s21 =	sadd.s32 $0x28000, s21  }
.Ltmp2:
0x1d: {  	s20 =	sadd.s32 $0xFFFFFFFF, s20;
	(pc) =	sbr.rel @p1 .LBB2_4-.Ltmp2, $4  }
0x1e: {  	_ = 	snop  }
0x1f: {  	[spmem:s21] =	stream.linear.scatter [tilespmem:s12], [sflag:$0x2], $0x2800, $0x38;
	[tilespmem:$0x11540] =	vst v63  }
0x20: {  	_ =	swait.ge [sflag:s13], $0x2800  }
0x21: {  	[sflag:s13] =	ssyncset.done $0x0  }
.LBB2_5:
0x22: {  	[sflag:s13] =	ssyncadd.s32 $0xFFFFD800  }
0x23: {  	s20 =	simm.s32 $0x0;
	s21 =	simm.s32 $0x0;
	[bflag:$0x0] =	sbarrier.arrive $0xFFFF  }
.LBB2_6:
0x24: {  	s22 =	smul.u32 $0x50, s21;
	_ =	sdelay $0x1  }
0x25: {  	s22 =	sadd.s32 s9, s22  }
0x26: {  	s23 =	sshrl.u32 s22, $0x3  }
0x27: {  	s24 =	sadd.s32 s6, s23  }
0x28: {  	[tilespmem:s20], [sflag:$0x2] =	stream.linear.gather [hbm4b:s24+s20], $0x50, $0x38;
	[tilespmem:$0x11540] =	vst v63  }
0x29: {  	_ =	swait.ge [sflag:s13], $0x50  }
0x2a: {  	[sflag:s13] =	ssyncset.done $0x0  }
0x2b: {  	s23 =	sadd.s32 s7, s23;
	[sflag:s13] =	ssyncadd.s32 $0xFFFFFFB0  }
0x2c: {  	[tilespmem:s14], [sflag:$0x2] =	stream.linear.gather [hbm4b:s23+s20], $0x50, $0x38;
	[tilespmem:$0x11540] =	vst v63  }
0x2d: {  	_ =	swait.ge [sflag:s13], $0x50  }
0x2e: {  	[sflag:s13] =	ssyncset.done $0x0  }
0x2f: {  	s22 =	sshll.u32 s22, $0x4;
	[sflag:s13] =	ssyncadd.s32 $0xFFFFFFB0  }
0x30: {  	[tilespmem:s16], [sflag:$0x1] =	stream.indirect.gather [hbm4b:s3+s15], $0x80, s20, s15, $0xb8;
	[tilespmem:$0x11540] =	vst v63  }
0x31: {  	s22 =	sadd.s32 s4, s22  }
0x32: {  	[tilespmem:s17], [sflag:$0x2] =	stream.linear.gather [hbm4b:s22+s20], $0x2800, $0x38;
	[tilespmem:$0x11540] =	vst v63  }
0x33: {  	_ =	swait.ge [sflag:s13], $0x2800  }
0x34: {  	[sflag:s13] =	ssyncset.done $0x0  }
0x35: {  	[sflag:s13] =	ssyncadd.s32 $0xFFFFD800  }
0x36: {  	_ =	swait.ge [sflag:s18], $0x2800  }
0x37: {  	[sflag:s18] =	ssyncset.done $0x0  }
0x38: {  	s22 =	simm.s32 $0x0;
	[sflag:s18] =	ssyncadd.s32 $0xFFFFD800  }
0x39: {  	v3 =	vld [tilespmem:s22+$0x100]  }
0x3a: {  	v4 =	vld [tilespmem:s22+$0x110]  }
0x3b: {  	v2 =	vld [tilespmem:s22+$0x120]  }
0x3c: {  	v1 =	vld [tilespmem:s22+$0x130]  }
0x3d: {  	v5 =	vld [tilespmem:s22+$0x2900]  }
0x3e: {  	v7 =	vld [tilespmem:s22+$0x2910]  }
0x3f: {  	s23 =	simm.s32 $0x200;
	v6 =	vld [tilespmem:s22+$0x2920]  }
.LBB2_7:
0x40: {  	p1 =	sne.s32 s23, $0x9E00;
	v8 =	vld [tilespmem:s22+$0x2930]  }
0x41: {  	s24 =	sshra.s32 s23, $0x2  }
0x42: {  	v5 =	vadd.f32 v5, v3;
	v3 =	vld [tilespmem:s24+$0x100]  }
0x43: {  	v7 =	vadd.f32 v7, v4;
	v4 =	vld [tilespmem:s24+$0x110]  }
.Ltmp3:
0x44: {  	v5 =	vmax.f32 v5, $0.0e+00;
	v6 =	vadd.f32 v6, v2;
	v2 =	vld [tilespmem:s24+$0x120];
	(pc) =	sbr.rel @p1 .LBB2_7-.Ltmp3, $4  }
0x45: {  	[tilespmem:s22+$0x2900] =	vst v5;
	v7 =	vmax.f32 v7, $0.0e+00;
	v8 =	vadd.f32 v8, v1;
	v1 =	vld [tilespmem:s24+$0x130]  }
0x46: {  	v5 =	vld [tilespmem:s24+$0x2900];
	[tilespmem:s22+$0x2910] =	vst v7;
	v6 =	vmax.f32 v6, $0.0e+00  }
0x47: {  	v7 =	vld [tilespmem:s24+$0x2910];
	[tilespmem:s22+$0x2920] =	vst v6;
	v8 =	vmax.f32 v8, $0.0e+00  }
0x48: {  	s23 =	sadd.s32 $0x200, s23;
	v6 =	vld [tilespmem:s24+$0x2920];
	[tilespmem:s22+$0x2930] =	vst v8;
	s22 =	smov.u32 s24  }
0x49: {  	v8 =	vld [tilespmem:s22+$0x2930];
	_ =	sdelay $0x1  }
0x4a: {  	v3 =	vadd.f32 v5, v3  }
0x4b: {  	v4 =	vadd.f32 v7, v4  }
0x4c: {  	v3 =	vmax.f32 v3, $0.0e+00;
	v2 =	vadd.f32 v6, v2  }
0x4d: {  	[tilespmem:s22+$0x2900] =	vst v3;
	v3 =	vmax.f32 v4, $0.0e+00;
	v1 =	vadd.f32 v8, v1  }
0x4e: {  	s21 =	sadd.s32 $0x1, s21;
	[tilespmem:s22+$0x2910] =	vst v3;
	v2 =	vmax.f32 v2, $0.0e+00  }
0x4f: {  	p1 =	sne.s32 s21, $0x7D;
	[tilespmem:s22+$0x2920] =	vst v2;
	v1 =	vmax.f32 v1, $0.0e+00  }
.Ltmp4:
0x50: {  	[tilespmem:s22+$0x2930] =	vst v1;
	(pc) =	sbr.rel @p1 .LBB2_6-.Ltmp4, $4  }
0x51: {  	[spmem:s1] =	stream.indirect.scatter.add.f32 [tilespmem:s17], [sflag:$0x2], $0x40, s14, s15, $0xb8;
	[tilespmem:$0x11540] =	vst v63  }
0x52: {  	_ =	swait.ge [sflag:s13], $0x1400  }
0x53: {  	[sflag:s13] =	ssyncset.done $0x0  }
0x54: {  	[sflag:s13] =	ssyncadd.s32 $0xFFFFEC00  }
.Ltmp5:
0x55: {  	(pc) =	sbr.rel @!p0 .LBB2_11-.Ltmp5, $4  }
0x56: {  	s20 =	sshll.u32 s5, $0x6;
	[bflag:$0x0] =	sbarrier.arrive $0xFFFF  }
0x57: {  	s21 =	sshrl.u32 s11, $0x3;
	s22 =	sadd.s32 $0x5000, s19;
	s20 =	sor.u32 $0x1C02, s20  }
0x58: {  	[hbm:s19], [sflag:s20] =	dma.local [spmem:s21], $0x500  }
0x59: {  	s23 =	smov.u32 s11;
	s21 =	sadd.s32 $0xFFFFFFFF, s8;
	_ =	swait.ge [sflag:s13], $0x500  }
.LBB2_10:
0x5a: {  	[sflag:s13] =	ssyncset.done $0x0;
	s23 =	sadd.s32 $0x28000, s23;
	p0 =	sne.s32 s21, $0x1  }
.Ltmp6:
0x5b: {  	s24 =	sshrl.u32 s23, $0x3;
	[sflag:s13] =	ssyncadd.s32 $0xFFFFFB00;
	(pc) =	sbr.rel @p0 .LBB2_10-.Ltmp6, $3  }
0x5c: {  	[hbm:s22], [sflag:s20] =	dma.local [spmem:s24], $0x500  }
0x5d: {  	s21 =	sadd.s32 $0xFFFFFFFF, s21;
	_ =	sdelay $0x1  }
0x5e: {  	s22 =	sadd.s32 $0x5000, s22;
	_ =	swait.ge [sflag:s13], $0x500  }
.LBB2_11:
0x5f: {  	s2 =	sadd.s32 $0x1, s2  }
0x60: {  	p0 =	sne.s32 s2, s10  }
.Ltmp7:
0x61: {  	_ = 	snop;
	(pc) =	sbr.rel @p0 .LBB2_1-.Ltmp7, $3  }
0x62: {  	_ =	sdelay $0x1  }
0x63: {  	[sflag:s13] =	ssyncset.done $0x0  }
0x64: {  	[sflag:s13] =	ssyncadd.s32 $0xFFFFFB00  }
0x65: {  	_ =	sfence.sel $0x180000  }
0x66: {  	[bflag:$0x0] =	sbarrier.arrive $0xFFFF  }
0x67: {  	p0 =	sne.s32 s5, $0x0;
	_ =	strace $0x9000004D  }
0x68: {  	s0 =	sadd.s32 @!p0 $0x100000, s0;
	[bflag:$0x2] =	sbarrier.arrive $0xFFFF  }
0x69: {  	[sflag:s0] =	ssyncadd.tile.s32 @!p0 $0x1;
	_ =	shalt  }
.Lfunc_end2:
_tile_overlayer_lowered:
.L_overlay_start_2:
0x6a: {  	(tag) =	ssettag $0x2  }
0x6b: {  	s0 =	rddreg [dreg:$0x0];
	s2 =	stileid.u32  }
0x6c: {  	s1 =	rddreg [dreg:$0x1];
	p0 =	sne.s32 s2, $0x0  }
0x6d: {  	s3 =	rddreg [dreg:$0x2];
	[bflag:$0x3] =	sbarrier.arrive $0xFFFF;
	s2 =	simm.s32 @!p0 $0x1C02  }
0x6e: {  	[timem:s3], [sflag:s2] =	dma.local @!p0 [hbm:s0], s1  }
0x6f: {  	s0 =	simm.s32 @!p0 $0x2  }
0x70: {  	_ =	swait.ge @!p0 [sflag:s0], s1  }
0x71: {  	s1 =	ssub.s32 @!p0 $0x0, s1;
	[sflag:s0] =	ssyncset.done @!p0 $0x0  }
0x72: {  	[sflag:s0] =	ssyncadd.s32 @!p0 s1  }
0x73: {  	[bflag:$0x3] =	sbarrier.arrive $0xFFFF  }
0x74: {  	_ =	shalt  }

</sc_bundles>
